<compile_context>
chip_gen: v7x
topology: tpu7x:2x2x1
jax: 0.10.2.dev20260603
libtpu: 0.0.44.dev20260713+nightly
codegen_flags: <defaults>
</compile_context>

<pallas_src>
import functools

import jax
import jax.numpy as jnp
from jax import lax
from jax.experimental import pallas as pl
from jax.experimental.pallas import tpu as pltpu
from jax.experimental.pallas import tpu_sc as plsc


def _make_sc_spmm(N, E, D, NC, NS):
  NW = NC * NS
  EW = E // NW
  C = 80
  NCHUNK = EW // C
  LANES = D // 16
  n_copies = N // C
  n_rounds = (n_copies + NS - 1) // NS

  mesh = plsc.VectorSubcoreMesh(core_axis_name="c", subcore_axis_name="s")

  @functools.partial(
      pl.kernel,
      out_type=jax.ShapeDtypeStruct((NC, N, D), jnp.float32),
      mesh=mesh,
      scratch_types=[
          pltpu.VMEM((C,), jnp.int32),
          pltpu.VMEM((C,), jnp.int32),
          pltpu.VMEM((C,), jnp.float32),
          pltpu.VMEM((C, D), jnp.float32),
          pltpu.VMEM_SHARED((N, D), jnp.float32),
          pltpu.SemaphoreType.DMA,
      ],
      compiler_params=pltpu.CompilerParams(needs_layout_passes=False),
  )
  def sc_spmm(x_hbm, row_hbm, col_hbm, val_hbm, out_hbm,
              cidx, ridx, vals, rows, acc, sem):
    cid = lax.axis_index("c")
    sid = lax.axis_index("s")
    wid = cid * NS + sid

    def zrow(i, _):
      for j in range(LANES):
        rows[i, pl.ds(j * 16, 16)] = jnp.zeros((16,), jnp.float32)
      return 0
    lax.fori_loop(0, C, zrow, 0)
    for m in range(n_rounds):
      idx = sid + NS * m
      @pl.when(idx < n_copies)
      def _():
        pltpu.sync_copy(rows, acc.at[pl.ds(pl.multiple_of(idx * C, 8), C)])
    plsc.subcore_barrier()

    def chunk(k, _):
      base = pl.multiple_of(wid * EW + k * C, 8)
      pltpu.sync_copy(col_hbm.at[pl.ds(base, C)], cidx)
      pltpu.sync_copy(row_hbm.at[pl.ds(base, C)], ridx)
      pltpu.sync_copy(val_hbm.at[pl.ds(base, C)], vals)
      pltpu.async_copy(x_hbm.at[cidx], rows, sem).wait()

      def srow(i, _):
        v = plsc.load_gather(vals, [jnp.zeros((16,), jnp.int32) + i])
        for j in range(LANES):
          sl = pl.ds(j * 16, 16)
          rows[i, sl] = rows[i, sl] * v
        return 0
      lax.fori_loop(0, C, srow, 0)

      pltpu.sync_copy(rows, acc.at[ridx], add=True)
      return 0
    lax.fori_loop(0, NCHUNK, chunk, 0)

    plsc.subcore_barrier()

    for m in range(n_rounds):
      idx = sid + NS * m
      @pl.when(idx < n_copies)
      def _():
        off = pl.multiple_of(idx * C, 8)
        pltpu.sync_copy(acc.at[pl.ds(off, C)],
                        out_hbm.at[cid, pl.ds(off, C)])

  return sc_spmm


def _tc_matmul_prelu(partials, W, prelu_a, N, D, NC):
  BR = 1000
  grid = (N // BR,)

  def body(a_ref, p_ref, w_ref, o_ref):
    s = p_ref[0]
    for c in range(1, NC):
      s = s + p_ref[c]
    h = jnp.dot(s, w_ref[...], preferred_element_type=jnp.float32)
    a = a_ref[0, 0]
    o_ref[...] = jnp.where(h >= 0, h, a * h)

  return pl.pallas_call(
      body,
      grid=grid,
      in_specs=[
          pl.BlockSpec((1, 1), lambda i: (0, 0)),
          pl.BlockSpec((NC, BR, D), lambda i: (0, i, 0)),
          pl.BlockSpec((D, D), lambda i: (0, 0)),
      ],
      out_specs=pl.BlockSpec((BR, D), lambda i: (i, 0)),
      out_shape=jax.ShapeDtypeStruct((N, D), jnp.float32),
  )(prelu_a.reshape(1, 1), partials, W)


def kernel(x, edge_index, adj_vals, W, prelu_a):
  N, D = x.shape
  E = adj_vals.shape[0]
  info = plsc.get_sparse_core_info()
  NC, NS = info.num_cores, info.num_subcores

  row = edge_index[0].astype(jnp.int32)
  col = edge_index[1].astype(jnp.int32)

  sc_spmm = _make_sc_spmm(N, E, D, NC, NS)
  partials = sc_spmm(x, row, col, adj_vals)
  return _tc_matmul_prelu(partials, W, prelu_a, N, D, NC)

# --- scband reference (transcript-rebuilt; emitter-appended) ---
"""Pipeline reference for scband-graph-conv-6648609374671 (READ-ONLY COPY).

The authoritative reference and input builder live on the scoring server;
editing this copy changes nothing except your own understanding.
"""

import jax, jax.numpy as jnp
import numpy as np

N_NODES = 10000
N_EDGES = 320000
D_IN = 128
D_OUT = 128


def setup_inputs(seed: int = 0) -> dict:
    key = jax.random.key(seed)
    kx, ke, kv, kw = (jax.random.fold_in(key, i) for i in range(4))
    x = jax.random.normal(kx, (N_NODES, D_IN), dtype=jnp.float32)
    edge_index = jax.random.randint(ke, (2, N_EDGES), 0, N_NODES, dtype=jnp.int64)
    adj_vals = jax.random.uniform(kv, (N_EDGES,), dtype=jnp.float32)
    # Xavier-style uniform init: stdv = 1/sqrt(output_dim)
    stdv = 1.0 / np.sqrt(D_OUT)
    W = jax.random.uniform(kw, (D_IN, D_OUT), dtype=jnp.float32, minval=-stdv, maxval=stdv)
    # PReLU learnable slope (single parameter, torch default init 0.25)
    prelu_a = jnp.asarray(0.25, dtype=jnp.float32)
    return {"x": x, "edge_index": edge_index, "adj_vals": adj_vals, "W": W, "prelu_a": prelu_a}


def reference(x, edge_index, adj_vals, W, prelu_a):
    # x_hidden = dropout(x @ W); gc_drop=0.0 -> identity
    x_hidden = jnp.dot(x, W)
    # spmm(adj, x_hidden): adj in COO with row=edge_index[0], col=edge_index[1]
    row = edge_index[0]
    col = edge_index[1]
    msgs = jnp.take(x_hidden, col, axis=0) * adj_vals[:, None]
    agg = jax.ops.segment_sum(msgs, row, num_segments=x.shape[0])
    # PReLU activation: max(0, x) + a * min(0, x)
    out = jnp.where(agg >= 0, agg, prelu_a * agg)
    return out

if __name__ == "__main__":
    import jax
    _d = setup_inputs()
    print(jax.jit(kernel)(*tuple(_d.values())))

</pallas_src>

<mosaic_0001>
#map = affine_map<(d0, d1) -> (0, 0)>
#map1 = affine_map<(d0, d1) -> (0)>
#map2 = affine_map<(d0, d1) -> (0, 0, 0)>
module attributes {stable_mosaic.version = 14 : i64} {
  func.func @sc_spmm(%arg0: i32, %arg1: i32, %arg2: memref<10000x128xf32, #tpu.memory_space<hbm>>, %arg3: memref<320000xi32, #tpu.memory_space<hbm>>, %arg4: memref<320000xi32, #tpu.memory_space<hbm>>, %arg5: memref<320000xf32, #tpu.memory_space<hbm>>, %arg6: memref<2x10000x128xf32, #tpu.memory_space<hbm>>, %arg7: memref<80xi32, #tpu.memory_space<vmem>>, %arg8: memref<80xi32, #tpu.memory_space<vmem>>, %arg9: memref<80xf32, #tpu.memory_space<vmem>>, %arg10: memref<80x128xf32, #tpu.memory_space<vmem>>, %arg11: memref<10000x128xf32, #tpu.memory_space<vmem_shared>>, %arg12: memref<!tpu.dma_semaphore, #tpu.memory_space<semaphore_mem>>) attributes {dimension_semantics = [#tpu.dimension_semantics<core_parallel>, #tpu.dimension_semantics<subcore_parallel>], iteration_bounds = array<i64: 2, 16>, scalar_prefetch = 0 : i64, scratch_operands = 6 : i64, tpu.core_type = #tpu.core_type<sc_vector_subcore>, window_params = [{transform_indices = #map}, {transform_indices = #map1}, {transform_indices = #map1}, {transform_indices = #map1}, {transform_indices = #map2}]} {
    %mul3A = arith.constant 16 : i32
    %mul3A_0 = arith.muli %arg0, %mul3A : i32
    %add3A = arith.addi %mul3A_0, %arg1 : i32
    %scan3A = arith.constant 0 : i32
    %scan3A_1 = arith.constant 0 : i32
    %scan3A_2 = arith.constant 80 : i32
    %scan3A_3 = arith.addi %scan3A_1, %scan3A_2 : i32
    %scan3A_4 = arith.constant 1 : i32
    %scan3A_5 = scf.for %scan3A_124 = %scan3A_1 to %scan3A_3 step %scan3A_4 iter_args(%scan3A_125 = %scan3A) -> (i32)  : i32 {
      %broadcast_in_dim3A = arith.constant 0.000000e+00 : f32
      %broadcast_in_dim3A_126 = vector.broadcast %broadcast_in_dim3A : f32 to vector<16xf32>
      %swap3A = arith.index_cast %scan3A_124 : i32 to index
      %swap3A_127 = arith.constant 0 : index
      %swap3A_128 = tpu.vector_load %arg10[%swap3A, %swap3A_127] {strides = array<i32>} : memref<80x128xf32, #tpu.memory_space<vmem>>, vector<16xf32>,
      tpu.vector_store %arg10[%swap3A, %swap3A_127], %broadcast_in_dim3A_126 {strides = array<i32>} : memref<80x128xf32, #tpu.memory_space<vmem>>, vector<16xf32>,
      %broadcast_in_dim3A_129 = arith.constant 0.000000e+00 : f32
      %broadcast_in_dim3A_130 = vector.broadcast %broadcast_in_dim3A_129 : f32 to vector<16xf32>
      %swap3A_131 = arith.index_cast %scan3A_124 : i32 to index
      %swap3A_132 = arith.constant 16 : index
      %swap3A_133 = tpu.vector_load %arg10[%swap3A_131, %swap3A_132] {strides = array<i32>} : memref<80x128xf32, #tpu.memory_space<vmem>>, vector<16xf32>,
      tpu.vector_store %arg10[%swap3A_131, %swap3A_132], %broadcast_in_dim3A_130 {strides = array<i32>} : memref<80x128xf32, #tpu.memory_space<vmem>>, vector<16xf32>,
      %broadcast_in_dim3A_134 = arith.constant 0.000000e+00 : f32
      %broadcast_in_dim3A_135 = vector.broadcast %broadcast_in_dim3A_134 : f32 to vector<16xf32>
      %swap3A_136 = arith.index_cast %scan3A_124 : i32 to index
      %swap3A_137 = arith.constant 32 : index
      %swap3A_138 = tpu.vector_load %arg10[%swap3A_136, %swap3A_137] {strides = array<i32>} : memref<80x128xf32, #tpu.memory_space<vmem>>, vector<16xf32>,
      tpu.vector_store %arg10[%swap3A_136, %swap3A_137], %broadcast_in_dim3A_135 {strides = array<i32>} : memref<80x128xf32, #tpu.memory_space<vmem>>, vector<16xf32>,
      %broadcast_in_dim3A_139 = arith.constant 0.000000e+00 : f32
      %broadcast_in_dim3A_140 = vector.broadcast %broadcast_in_dim3A_139 : f32 to vector<16xf32>
      %swap3A_141 = arith.index_cast %scan3A_124 : i32 to index
      %swap3A_142 = arith.constant 48 : index
      %swap3A_143 = tpu.vector_load %arg10[%swap3A_141, %swap3A_142] {strides = array<i32>} : memref<80x128xf32, #tpu.memory_space<vmem>>, vector<16xf32>,
      tpu.vector_store %arg10[%swap3A_141, %swap3A_142], %broadcast_in_dim3A_140 {strides = array<i32>} : memref<80x128xf32, #tpu.memory_space<vmem>>, vector<16xf32>,
      %broadcast_in_dim3A_144 = arith.constant 0.000000e+00 : f32
      %broadcast_in_dim3A_145 = vector.broadcast %broadcast_in_dim3A_144 : f32 to vector<16xf32>
      %swap3A_146 = arith.index_cast %scan3A_124 : i32 to index
      %swap3A_147 = arith.constant 64 : index
      %swap3A_148 = tpu.vector_load %arg10[%swap3A_146, %swap3A_147] {strides = array<i32>} : memref<80x128xf32, #tpu.memory_space<vmem>>, vector<16xf32>,
      tpu.vector_store %arg10[%swap3A_146, %swap3A_147], %broadcast_in_dim3A_145 {strides = array<i32>} : memref<80x128xf32, #tpu.memory_space<vmem>>, vector<16xf32>,
      %broadcast_in_dim3A_149 = arith.constant 0.000000e+00 : f32
      %broadcast_in_dim3A_150 = vector.broadcast %broadcast_in_dim3A_149 : f32 to vector<16xf32>
      %swap3A_151 = arith.index_cast %scan3A_124 : i32 to index
      %swap3A_152 = arith.constant 80 : index
      %swap3A_153 = tpu.vector_load %arg10[%swap3A_151, %swap3A_152] {strides = array<i32>} : memref<80x128xf32, #tpu.memory_space<vmem>>, vector<16xf32>,
      tpu.vector_store %arg10[%swap3A_151, %swap3A_152], %broadcast_in_dim3A_150 {strides = array<i32>} : memref<80x128xf32, #tpu.memory_space<vmem>>, vector<16xf32>,
      %broadcast_in_dim3A_154 = arith.constant 0.000000e+00 : f32
      %broadcast_in_dim3A_155 = vector.broadcast %broadcast_in_dim3A_154 : f32 to vector<16xf32>
      %swap3A_156 = arith.index_cast %scan3A_124 : i32 to index
      %swap3A_157 = arith.constant 96 : index
      %swap3A_158 = tpu.vector_load %arg10[%swap3A_156, %swap3A_157] {strides = array<i32>} : memref<80x128xf32, #tpu.memory_space<vmem>>, vector<16xf32>,
      tpu.vector_store %arg10[%swap3A_156, %swap3A_157], %broadcast_in_dim3A_155 {strides = array<i32>} : memref<80x128xf32, #tpu.memory_space<vmem>>, vector<16xf32>,
      %broadcast_in_dim3A_159 = arith.constant 0.000000e+00 : f32
      %broadcast_in_dim3A_160 = vector.broadcast %broadcast_in_dim3A_159 : f32 to vector<16xf32>
      %swap3A_161 = arith.index_cast %scan3A_124 : i32 to index
      %swap3A_162 = arith.constant 112 : index
      %swap3A_163 = tpu.vector_load %arg10[%swap3A_161, %swap3A_162] {strides = array<i32>} : memref<80x128xf32, #tpu.memory_space<vmem>>, vector<16xf32>,
      tpu.vector_store %arg10[%swap3A_161, %swap3A_162], %broadcast_in_dim3A_160 {strides = array<i32>} : memref<80x128xf32, #tpu.memory_space<vmem>>, vector<16xf32>,
      %scan3A_164 = arith.constant 0 : i32
      scf.yield %scan3A_164 : i32
    }
    %scan3A_6 = arith.constant 80 : i32
    %add3A_7 = arith.constant 0 : i32
    %add3A_8 = arith.addi %arg1, %add3A_7 : i32
    %lt3A = arith.constant 125 : i32
    %lt3A_9 = arith.cmpi slt, %add3A_8, %lt3A : i32
    %convert_element_type3A = arith.extui %lt3A_9 : i1 to i32
    %cond3A = arith.constant 0 : i32
    %cond3A_10 = arith.cmpi ne, %convert_element_type3A, %cond3A : i32
    scf.if %cond3A_10 {
      %mul3A_124 = arith.constant 80 : i32
      %mul3A_125 = arith.muli %add3A_8, %mul3A_124 : i32
      %multiple_of3A = tpu.assume_multiple %mul3A_125, 8 : i32
      "tpu.region"() ({
        %run_scoped3A = tpu.sem_alloc : memref<!tpu.dma_semaphore, #tpu.memory_space<semaphore_mem>>
        %dma_start3A = arith.constant 0 : i32
        %dma_start3A_126 = tpu.memref_slice %arg11[%multiple_of3A, %dma_start3A] : memref<10000x128xf32, #tpu.memory_space<vmem_shared>> -> memref<80x128xf32, #tpu.memory_space<vmem_shared>>
        %dma_start3A_127 = arith.constant 0 : i32
        %dma_start3A_128 = tpu.memref_slice %arg11[%multiple_of3A, %dma_start3A_127] : memref<10000x128xf32, #tpu.memory_space<vmem_shared>> -> memref<80x128xf32, #tpu.memory_space<vmem_shared>>
        tpu.enqueue_dma source(%arg10 : memref<80x128xf32, #tpu.memory_space<vmem>>) target(%dma_start3A_128 : memref<80x128xf32, #tpu.memory_space<vmem_shared>>) target_semaphore(%run_scoped3A : memref<!tpu.dma_semaphore, #tpu.memory_space<semaphore_mem>>)
        %dma_wait3A = arith.constant 0 : i32
        %dma_wait3A_129 = tpu.memref_slice %arg11[%multiple_of3A, %dma_wait3A] : memref<10000x128xf32, #tpu.memory_space<vmem_shared>> -> memref<80x128xf32, #tpu.memory_space<vmem_shared>>
        %dma_wait3A_130 = arith.constant 0 : i32
        %dma_wait3A_131 = tpu.memref_slice %arg11[%multiple_of3A, %dma_wait3A_130] : memref<10000x128xf32, #tpu.memory_space<vmem_shared>> -> memref<80x128xf32, #tpu.memory_space<vmem_shared>>
        tpu.wait_dma2 semaphore(%run_scoped3A : memref<!tpu.dma_semaphore, #tpu.memory_space<semaphore_mem>>) src(%arg10 : memref<80x128xf32, #tpu.memory_space<vmem>>) dst(%dma_wait3A_131 : memref<80x128xf32, #tpu.memory_space<vmem_shared>>)
        tpu.yield
      }) : () -> ()
    } else {
    }
    %add3A_11 = arith.constant 16 : i32
    %add3A_12 = arith.addi %arg1, %add3A_11 : i32
    %lt3A_13 = arith.constant 125 : i32
    %lt3A_14 = arith.cmpi slt, %add3A_12, %lt3A_13 : i32
    %convert_element_type3A_15 = arith.extui %lt3A_14 : i1 to i32
    %cond3A_16 = arith.constant 0 : i32
    %cond3A_17 = arith.cmpi ne, %convert_element_type3A_15, %cond3A_16 : i32
    scf.if %cond3A_17 {
      %mul3A_124 = arith.constant 80 : i32
      %mul3A_125 = arith.muli %add3A_12, %mul3A_124 : i32
      %multiple_of3A = tpu.assume_multiple %mul3A_125, 8 : i32
      "tpu.region"() ({
        %run_scoped3A = tpu.sem_alloc : memref<!tpu.dma_semaphore, #tpu.memory_space<semaphore_mem>>
        %dma_start3A = arith.constant 0 : i32
        %dma_start3A_126 = tpu.memref_slice %arg11[%multiple_of3A, %dma_start3A] : memref<10000x128xf32, #tpu.memory_space<vmem_shared>> -> memref<80x128xf32, #tpu.memory_space<vmem_shared>>
        %dma_start3A_127 = arith.constant 0 : i32
        %dma_start3A_128 = tpu.memref_slice %arg11[%multiple_of3A, %dma_start3A_127] : memref<10000x128xf32, #tpu.memory_space<vmem_shared>> -> memref<80x128xf32, #tpu.memory_space<vmem_shared>>
        tpu.enqueue_dma source(%arg10 : memref<80x128xf32, #tpu.memory_space<vmem>>) target(%dma_start3A_128 : memref<80x128xf32, #tpu.memory_space<vmem_shared>>) target_semaphore(%run_scoped3A : memref<!tpu.dma_semaphore, #tpu.memory_space<semaphore_mem>>)
        %dma_wait3A = arith.constant 0 : i32
        %dma_wait3A_129 = tpu.memref_slice %arg11[%multiple_of3A, %dma_wait3A] : memref<10000x128xf32, #tpu.memory_space<vmem_shared>> -> memref<80x128xf32, #tpu.memory_space<vmem_shared>>
        %dma_wait3A_130 = arith.constant 0 : i32
        %dma_wait3A_131 = tpu.memref_slice %arg11[%multiple_of3A, %dma_wait3A_130] : memref<10000x128xf32, #tpu.memory_space<vmem_shared>> -> memref<80x128xf32, #tpu.memory_space<vmem_shared>>
        tpu.wait_dma2 semaphore(%run_scoped3A : memref<!tpu.dma_semaphore, #tpu.memory_space<semaphore_mem>>) src(%arg10 : memref<80x128xf32, #tpu.memory_space<vmem>>) dst(%dma_wait3A_131 : memref<80x128xf32, #tpu.memory_space<vmem_shared>>)
        tpu.yield
      }) : () -> ()
    } else {
    }
    %add3A_18 = arith.constant 32 : i32
    %add3A_19 = arith.addi %arg1, %add3A_18 : i32
    %lt3A_20 = arith.constant 125 : i32
    %lt3A_21 = arith.cmpi slt, %add3A_19, %lt3A_20 : i32
    %convert_element_type3A_22 = arith.extui %lt3A_21 : i1 to i32
    %cond3A_23 = arith.constant 0 : i32
    %cond3A_24 = arith.cmpi ne, %convert_element_type3A_22, %cond3A_23 : i32
    scf.if %cond3A_24 {
      %mul3A_124 = arith.constant 80 : i32
      %mul3A_125 = arith.muli %add3A_19, %mul3A_124 : i32
      %multiple_of3A = tpu.assume_multiple %mul3A_125, 8 : i32
      "tpu.region"() ({
        %run_scoped3A = tpu.sem_alloc : memref<!tpu.dma_semaphore, #tpu.memory_space<semaphore_mem>>
        %dma_start3A = arith.constant 0 : i32
        %dma_start3A_126 = tpu.memref_slice %arg11[%multiple_of3A, %dma_start3A] : memref<10000x128xf32, #tpu.memory_space<vmem_shared>> -> memref<80x128xf32, #tpu.memory_space<vmem_shared>>
        %dma_start3A_127 = arith.constant 0 : i32
        %dma_start3A_128 = tpu.memref_slice %arg11[%multiple_of3A, %dma_start3A_127] : memref<10000x128xf32, #tpu.memory_space<vmem_shared>> -> memref<80x128xf32, #tpu.memory_space<vmem_shared>>
        tpu.enqueue_dma source(%arg10 : memref<80x128xf32, #tpu.memory_space<vmem>>) target(%dma_start3A_128 : memref<80x128xf32, #tpu.memory_space<vmem_shared>>) target_semaphore(%run_scoped3A : memref<!tpu.dma_semaphore, #tpu.memory_space<semaphore_mem>>)
        %dma_wait3A = arith.constant 0 : i32
        %dma_wait3A_129 = tpu.memref_slice %arg11[%multiple_of3A, %dma_wait3A] : memref<10000x128xf32, #tpu.memory_space<vmem_shared>> -> memref<80x128xf32, #tpu.memory_space<vmem_shared>>
        %dma_wait3A_130 = arith.constant 0 : i32
        %dma_wait3A_131 = tpu.memref_slice %arg11[%multiple_of3A, %dma_wait3A_130] : memref<10000x128xf32, #tpu.memory_space<vmem_shared>> -> memref<80x128xf32, #tpu.memory_space<vmem_shared>>
        tpu.wait_dma2 semaphore(%run_scoped3A : memref<!tpu.dma_semaphore, #tpu.memory_space<semaphore_mem>>) src(%arg10 : memref<80x128xf32, #tpu.memory_space<vmem>>) dst(%dma_wait3A_131 : memref<80x128xf32, #tpu.memory_space<vmem_shared>>)
        tpu.yield
      }) : () -> ()
    } else {
    }
    %add3A_25 = arith.constant 48 : i32
    %add3A_26 = arith.addi %arg1, %add3A_25 : i32
    %lt3A_27 = arith.constant 125 : i32
    %lt3A_28 = arith.cmpi slt, %add3A_26, %lt3A_27 : i32
    %convert_element_type3A_29 = arith.extui %lt3A_28 : i1 to i32
    %cond3A_30 = arith.constant 0 : i32
    %cond3A_31 = arith.cmpi ne, %convert_element_type3A_29, %cond3A_30 : i32
    scf.if %cond3A_31 {
      %mul3A_124 = arith.constant 80 : i32
      %mul3A_125 = arith.muli %add3A_26, %mul3A_124 : i32
      %multiple_of3A = tpu.assume_multiple %mul3A_125, 8 : i32
      "tpu.region"() ({
        %run_scoped3A = tpu.sem_alloc : memref<!tpu.dma_semaphore, #tpu.memory_space<semaphore_mem>>
        %dma_start3A = arith.constant 0 : i32
        %dma_start3A_126 = tpu.memref_slice %arg11[%multiple_of3A, %dma_start3A] : memref<10000x128xf32, #tpu.memory_space<vmem_shared>> -> memref<80x128xf32, #tpu.memory_space<vmem_shared>>
        %dma_start3A_127 = arith.constant 0 : i32
        %dma_start3A_128 = tpu.memref_slice %arg11[%multiple_of3A, %dma_start3A_127] : memref<10000x128xf32, #tpu.memory_space<vmem_shared>> -> memref<80x128xf32, #tpu.memory_space<vmem_shared>>
        tpu.enqueue_dma source(%arg10 : memref<80x128xf32, #tpu.memory_space<vmem>>) target(%dma_start3A_128 : memref<80x128xf32, #tpu.memory_space<vmem_shared>>) target_semaphore(%run_scoped3A : memref<!tpu.dma_semaphore, #tpu.memory_space<semaphore_mem>>)
        %dma_wait3A = arith.constant 0 : i32
        %dma_wait3A_129 = tpu.memref_slice %arg11[%multiple_of3A, %dma_wait3A] : memref<10000x128xf32, #tpu.memory_space<vmem_shared>> -> memref<80x128xf32, #tpu.memory_space<vmem_shared>>
        %dma_wait3A_130 = arith.constant 0 : i32
        %dma_wait3A_131 = tpu.memref_slice %arg11[%multiple_of3A, %dma_wait3A_130] : memref<10000x128xf32, #tpu.memory_space<vmem_shared>> -> memref<80x128xf32, #tpu.memory_space<vmem_shared>>
        tpu.wait_dma2 semaphore(%run_scoped3A : memref<!tpu.dma_semaphore, #tpu.memory_space<semaphore_mem>>) src(%arg10 : memref<80x128xf32, #tpu.memory_space<vmem>>) dst(%dma_wait3A_131 : memref<80x128xf32, #tpu.memory_space<vmem_shared>>)
        tpu.yield
      }) : () -> ()
    } else {
    }
    %add3A_32 = arith.constant 64 : i32
    %add3A_33 = arith.addi %arg1, %add3A_32 : i32
    %lt3A_34 = arith.constant 125 : i32
    %lt3A_35 = arith.cmpi slt, %add3A_33, %lt3A_34 : i32
    %convert_element_type3A_36 = arith.extui %lt3A_35 : i1 to i32
    %cond3A_37 = arith.constant 0 : i32
    %cond3A_38 = arith.cmpi ne, %convert_element_type3A_36, %cond3A_37 : i32
    scf.if %cond3A_38 {
      %mul3A_124 = arith.constant 80 : i32
      %mul3A_125 = arith.muli %add3A_33, %mul3A_124 : i32
      %multiple_of3A = tpu.assume_multiple %mul3A_125, 8 : i32
      "tpu.region"() ({
        %run_scoped3A = tpu.sem_alloc : memref<!tpu.dma_semaphore, #tpu.memory_space<semaphore_mem>>
        %dma_start3A = arith.constant 0 : i32
        %dma_start3A_126 = tpu.memref_slice %arg11[%multiple_of3A, %dma_start3A] : memref<10000x128xf32, #tpu.memory_space<vmem_shared>> -> memref<80x128xf32, #tpu.memory_space<vmem_shared>>
        %dma_start3A_127 = arith.constant 0 : i32
        %dma_start3A_128 = tpu.memref_slice %arg11[%multiple_of3A, %dma_start3A_127] : memref<10000x128xf32, #tpu.memory_space<vmem_shared>> -> memref<80x128xf32, #tpu.memory_space<vmem_shared>>
        tpu.enqueue_dma source(%arg10 : memref<80x128xf32, #tpu.memory_space<vmem>>) target(%dma_start3A_128 : memref<80x128xf32, #tpu.memory_space<vmem_shared>>) target_semaphore(%run_scoped3A : memref<!tpu.dma_semaphore, #tpu.memory_space<semaphore_mem>>)
        %dma_wait3A = arith.constant 0 : i32
        %dma_wait3A_129 = tpu.memref_slice %arg11[%multiple_of3A, %dma_wait3A] : memref<10000x128xf32, #tpu.memory_space<vmem_shared>> -> memref<80x128xf32, #tpu.memory_space<vmem_shared>>
        %dma_wait3A_130 = arith.constant 0 : i32
        %dma_wait3A_131 = tpu.memref_slice %arg11[%multiple_of3A, %dma_wait3A_130] : memref<10000x128xf32, #tpu.memory_space<vmem_shared>> -> memref<80x128xf32, #tpu.memory_space<vmem_shared>>
        tpu.wait_dma2 semaphore(%run_scoped3A : memref<!tpu.dma_semaphore, #tpu.memory_space<semaphore_mem>>) src(%arg10 : memref<80x128xf32, #tpu.memory_space<vmem>>) dst(%dma_wait3A_131 : memref<80x128xf32, #tpu.memory_space<vmem_shared>>)
        tpu.yield
      }) : () -> ()
    } else {
    }
    %add3A_39 = arith.constant 80 : i32
    %add3A_40 = arith.addi %arg1, %add3A_39 : i32
    %lt3A_41 = arith.constant 125 : i32
    %lt3A_42 = arith.cmpi slt, %add3A_40, %lt3A_41 : i32
    %convert_element_type3A_43 = arith.extui %lt3A_42 : i1 to i32
    %cond3A_44 = arith.constant 0 : i32
    %cond3A_45 = arith.cmpi ne, %convert_element_type3A_43, %cond3A_44 : i32
    scf.if %cond3A_45 {
      %mul3A_124 = arith.constant 80 : i32
      %mul3A_125 = arith.muli %add3A_40, %mul3A_124 : i32
      %multiple_of3A = tpu.assume_multiple %mul3A_125, 8 : i32
      "tpu.region"() ({
        %run_scoped3A = tpu.sem_alloc : memref<!tpu.dma_semaphore, #tpu.memory_space<semaphore_mem>>
        %dma_start3A = arith.constant 0 : i32
        %dma_start3A_126 = tpu.memref_slice %arg11[%multiple_of3A, %dma_start3A] : memref<10000x128xf32, #tpu.memory_space<vmem_shared>> -> memref<80x128xf32, #tpu.memory_space<vmem_shared>>
        %dma_start3A_127 = arith.constant 0 : i32
        %dma_start3A_128 = tpu.memref_slice %arg11[%multiple_of3A, %dma_start3A_127] : memref<10000x128xf32, #tpu.memory_space<vmem_shared>> -> memref<80x128xf32, #tpu.memory_space<vmem_shared>>
        tpu.enqueue_dma source(%arg10 : memref<80x128xf32, #tpu.memory_space<vmem>>) target(%dma_start3A_128 : memref<80x128xf32, #tpu.memory_space<vmem_shared>>) target_semaphore(%run_scoped3A : memref<!tpu.dma_semaphore, #tpu.memory_space<semaphore_mem>>)
        %dma_wait3A = arith.constant 0 : i32
        %dma_wait3A_129 = tpu.memref_slice %arg11[%multiple_of3A, %dma_wait3A] : memref<10000x128xf32, #tpu.memory_space<vmem_shared>> -> memref<80x128xf32, #tpu.memory_space<vmem_shared>>
        %dma_wait3A_130 = arith.constant 0 : i32
        %dma_wait3A_131 = tpu.memref_slice %arg11[%multiple_of3A, %dma_wait3A_130] : memref<10000x128xf32, #tpu.memory_space<vmem_shared>> -> memref<80x128xf32, #tpu.memory_space<vmem_shared>>
        tpu.wait_dma2 semaphore(%run_scoped3A : memref<!tpu.dma_semaphore, #tpu.memory_space<semaphore_mem>>) src(%arg10 : memref<80x128xf32, #tpu.memory_space<vmem>>) dst(%dma_wait3A_131 : memref<80x128xf32, #tpu.memory_space<vmem_shared>>)
        tpu.yield
      }) : () -> ()
    } else {
    }
    %add3A_46 = arith.constant 96 : i32
    %add3A_47 = arith.addi %arg1, %add3A_46 : i32
    %lt3A_48 = arith.constant 125 : i32
    %lt3A_49 = arith.cmpi slt, %add3A_47, %lt3A_48 : i32
    %convert_element_type3A_50 = arith.extui %lt3A_49 : i1 to i32
    %cond3A_51 = arith.constant 0 : i32
    %cond3A_52 = arith.cmpi ne, %convert_element_type3A_50, %cond3A_51 : i32
    scf.if %cond3A_52 {
      %mul3A_124 = arith.constant 80 : i32
      %mul3A_125 = arith.muli %add3A_47, %mul3A_124 : i32
      %multiple_of3A = tpu.assume_multiple %mul3A_125, 8 : i32
      "tpu.region"() ({
        %run_scoped3A = tpu.sem_alloc : memref<!tpu.dma_semaphore, #tpu.memory_space<semaphore_mem>>
        %dma_start3A = arith.constant 0 : i32
        %dma_start3A_126 = tpu.memref_slice %arg11[%multiple_of3A, %dma_start3A] : memref<10000x128xf32, #tpu.memory_space<vmem_shared>> -> memref<80x128xf32, #tpu.memory_space<vmem_shared>>
        %dma_start3A_127 = arith.constant 0 : i32
        %dma_start3A_128 = tpu.memref_slice %arg11[%multiple_of3A, %dma_start3A_127] : memref<10000x128xf32, #tpu.memory_space<vmem_shared>> -> memref<80x128xf32, #tpu.memory_space<vmem_shared>>
        tpu.enqueue_dma source(%arg10 : memref<80x128xf32, #tpu.memory_space<vmem>>) target(%dma_start3A_128 : memref<80x128xf32, #tpu.memory_space<vmem_shared>>) target_semaphore(%run_scoped3A : memref<!tpu.dma_semaphore, #tpu.memory_space<semaphore_mem>>)
        %dma_wait3A = arith.constant 0 : i32
        %dma_wait3A_129 = tpu.memref_slice %arg11[%multiple_of3A, %dma_wait3A] : memref<10000x128xf32, #tpu.memory_space<vmem_shared>> -> memref<80x128xf32, #tpu.memory_space<vmem_shared>>
        %dma_wait3A_130 = arith.constant 0 : i32
        %dma_wait3A_131 = tpu.memref_slice %arg11[%multiple_of3A, %dma_wait3A_130] : memref<10000x128xf32, #tpu.memory_space<vmem_shared>> -> memref<80x128xf32, #tpu.memory_space<vmem_shared>>
        tpu.wait_dma2 semaphore(%run_scoped3A : memref<!tpu.dma_semaphore, #tpu.memory_space<semaphore_mem>>) src(%arg10 : memref<80x128xf32, #tpu.memory_space<vmem>>) dst(%dma_wait3A_131 : memref<80x128xf32, #tpu.memory_space<vmem_shared>>)
        tpu.yield
      }) : () -> ()
    } else {
    }
    %add3A_53 = arith.constant 112 : i32
    %add3A_54 = arith.addi %arg1, %add3A_53 : i32
    %lt3A_55 = arith.constant 125 : i32
    %lt3A_56 = arith.cmpi slt, %add3A_54, %lt3A_55 : i32
    %convert_element_type3A_57 = arith.extui %lt3A_56 : i1 to i32
    %cond3A_58 = arith.constant 0 : i32
    %cond3A_59 = arith.cmpi ne, %convert_element_type3A_57, %cond3A_58 : i32
    scf.if %cond3A_59 {
      %mul3A_124 = arith.constant 80 : i32
      %mul3A_125 = arith.muli %add3A_54, %mul3A_124 : i32
      %multiple_of3A = tpu.assume_multiple %mul3A_125, 8 : i32
      "tpu.region"() ({
        %run_scoped3A = tpu.sem_alloc : memref<!tpu.dma_semaphore, #tpu.memory_space<semaphore_mem>>
        %dma_start3A = arith.constant 0 : i32
        %dma_start3A_126 = tpu.memref_slice %arg11[%multiple_of3A, %dma_start3A] : memref<10000x128xf32, #tpu.memory_space<vmem_shared>> -> memref<80x128xf32, #tpu.memory_space<vmem_shared>>
        %dma_start3A_127 = arith.constant 0 : i32
        %dma_start3A_128 = tpu.memref_slice %arg11[%multiple_of3A, %dma_start3A_127] : memref<10000x128xf32, #tpu.memory_space<vmem_shared>> -> memref<80x128xf32, #tpu.memory_space<vmem_shared>>
        tpu.enqueue_dma source(%arg10 : memref<80x128xf32, #tpu.memory_space<vmem>>) target(%dma_start3A_128 : memref<80x128xf32, #tpu.memory_space<vmem_shared>>) target_semaphore(%run_scoped3A : memref<!tpu.dma_semaphore, #tpu.memory_space<semaphore_mem>>)
        %dma_wait3A = arith.constant 0 : i32
        %dma_wait3A_129 = tpu.memref_slice %arg11[%multiple_of3A, %dma_wait3A] : memref<10000x128xf32, #tpu.memory_space<vmem_shared>> -> memref<80x128xf32, #tpu.memory_space<vmem_shared>>
        %dma_wait3A_130 = arith.constant 0 : i32
        %dma_wait3A_131 = tpu.memref_slice %arg11[%multiple_of3A, %dma_wait3A_130] : memref<10000x128xf32, #tpu.memory_space<vmem_shared>> -> memref<80x128xf32, #tpu.memory_space<vmem_shared>>
        tpu.wait_dma2 semaphore(%run_scoped3A : memref<!tpu.dma_semaphore, #tpu.memory_space<semaphore_mem>>) src(%arg10 : memref<80x128xf32, #tpu.memory_space<vmem>>) dst(%dma_wait3A_131 : memref<80x128xf32, #tpu.memory_space<vmem_shared>>)
        tpu.yield
      }) : () -> ()
    } else {
    }
    %barrier3A = arith.constant 0 : index
    tpu.barrier barrier_id(%barrier3A)
    %scan3A_60 = arith.constant 0 : i32
    %scan3A_61 = arith.constant 0 : i32
    %scan3A_62 = arith.constant 125 : i32
    %scan3A_63 = arith.addi %scan3A_61, %scan3A_62 : i32
    %scan3A_64 = arith.constant 1 : i32
    %scan3A_65 = scf.for %scan3A_124 = %scan3A_61 to %scan3A_63 step %scan3A_64 iter_args(%scan3A_125 = %scan3A_60) -> (i32)  : i32 {
      %mul3A_126 = arith.constant 10000 : i32
      %mul3A_127 = arith.muli %add3A, %mul3A_126 : i32
      %mul3A_128 = arith.constant 80 : i32
      %mul3A_129 = arith.muli %scan3A_124, %mul3A_128 : i32
      %add3A_130 = arith.addi %mul3A_127, %mul3A_129 : i32
      %multiple_of3A = tpu.assume_multiple %add3A_130, 8 : i32
      "tpu.region"() ({
        %run_scoped3A = tpu.sem_alloc : memref<!tpu.dma_semaphore, #tpu.memory_space<semaphore_mem>>
        %dma_start3A_143 = tpu.memref_slice %arg4[%multiple_of3A] : memref<320000xi32, #tpu.memory_space<hbm>> -> memref<80xi32, #tpu.memory_space<hbm>>
        %dma_start3A_144 = tpu.memref_slice %arg4[%multiple_of3A] : memref<320000xi32, #tpu.memory_space<hbm>> -> memref<80xi32, #tpu.memory_space<hbm>>
        tpu.enqueue_dma source(%dma_start3A_144 : memref<80xi32, #tpu.memory_space<hbm>>) target(%arg7 : memref<80xi32, #tpu.memory_space<vmem>>) target_semaphore(%run_scoped3A : memref<!tpu.dma_semaphore, #tpu.memory_space<semaphore_mem>>)
        %dma_wait3A_145 = tpu.memref_slice %arg4[%multiple_of3A] : memref<320000xi32, #tpu.memory_space<hbm>> -> memref<80xi32, #tpu.memory_space<hbm>>
        %dma_wait3A_146 = tpu.memref_slice %arg4[%multiple_of3A] : memref<320000xi32, #tpu.memory_space<hbm>> -> memref<80xi32, #tpu.memory_space<hbm>>
        tpu.wait_dma2 semaphore(%run_scoped3A : memref<!tpu.dma_semaphore, #tpu.memory_space<semaphore_mem>>) src(%dma_wait3A_146 : memref<80xi32, #tpu.memory_space<hbm>>) dst(%arg7 : memref<80xi32, #tpu.memory_space<vmem>>)
        tpu.yield
      }) : () -> ()
      "tpu.region"() ({
        %run_scoped3A = tpu.sem_alloc : memref<!tpu.dma_semaphore, #tpu.memory_space<semaphore_mem>>
        %dma_start3A_143 = tpu.memref_slice %arg3[%multiple_of3A] : memref<320000xi32, #tpu.memory_space<hbm>> -> memref<80xi32, #tpu.memory_space<hbm>>
        %dma_start3A_144 = tpu.memref_slice %arg3[%multiple_of3A] : memref<320000xi32, #tpu.memory_space<hbm>> -> memref<80xi32, #tpu.memory_space<hbm>>
        tpu.enqueue_dma source(%dma_start3A_144 : memref<80xi32, #tpu.memory_space<hbm>>) target(%arg8 : memref<80xi32, #tpu.memory_space<vmem>>) target_semaphore(%run_scoped3A : memref<!tpu.dma_semaphore, #tpu.memory_space<semaphore_mem>>)
        %dma_wait3A_145 = tpu.memref_slice %arg3[%multiple_of3A] : memref<320000xi32, #tpu.memory_space<hbm>> -> memref<80xi32, #tpu.memory_space<hbm>>
        %dma_wait3A_146 = tpu.memref_slice %arg3[%multiple_of3A] : memref<320000xi32, #tpu.memory_space<hbm>> -> memref<80xi32, #tpu.memory_space<hbm>>
        tpu.wait_dma2 semaphore(%run_scoped3A : memref<!tpu.dma_semaphore, #tpu.memory_space<semaphore_mem>>) src(%dma_wait3A_146 : memref<80xi32, #tpu.memory_space<hbm>>) dst(%arg8 : memref<80xi32, #tpu.memory_space<vmem>>)
        tpu.yield
      }) : () -> ()
      "tpu.region"() ({
        %run_scoped3A = tpu.sem_alloc : memref<!tpu.dma_semaphore, #tpu.memory_space<semaphore_mem>>
        %dma_start3A_143 = tpu.memref_slice %arg5[%multiple_of3A] : memref<320000xf32, #tpu.memory_space<hbm>> -> memref<80xf32, #tpu.memory_space<hbm>>
        %dma_start3A_144 = tpu.memref_slice %arg5[%multiple_of3A] : memref<320000xf32, #tpu.memory_space<hbm>> -> memref<80xf32, #tpu.memory_space<hbm>>
        tpu.enqueue_dma source(%dma_start3A_144 : memref<80xf32, #tpu.memory_space<hbm>>) target(%arg9 : memref<80xf32, #tpu.memory_space<vmem>>) target_semaphore(%run_scoped3A : memref<!tpu.dma_semaphore, #tpu.memory_space<semaphore_mem>>)
        %dma_wait3A_145 = tpu.memref_slice %arg5[%multiple_of3A] : memref<320000xf32, #tpu.memory_space<hbm>> -> memref<80xf32, #tpu.memory_space<hbm>>
        %dma_wait3A_146 = tpu.memref_slice %arg5[%multiple_of3A] : memref<320000xf32, #tpu.memory_space<hbm>> -> memref<80xf32, #tpu.memory_space<hbm>>
        tpu.wait_dma2 semaphore(%run_scoped3A : memref<!tpu.dma_semaphore, #tpu.memory_space<semaphore_mem>>) src(%dma_wait3A_146 : memref<80xf32, #tpu.memory_space<hbm>>) dst(%arg9 : memref<80xf32, #tpu.memory_space<vmem>>)
        tpu.yield
      }) : () -> ()
      %dma_start3A = arith.constant 0 : i32
      %dma_start3A_131 = arith.constant 0 : i32
      %dma_start3A_132 = tpu.memref_slice %arg2[%dma_start3A, %dma_start3A_131] : memref<10000x128xf32, #tpu.memory_space<hbm>> -> memref<10000x128xf32, #tpu.memory_space<hbm>>
      tpu.enqueue_indirect_dma source(%dma_start3A_132 : memref<10000x128xf32, #tpu.memory_space<hbm>>) target(%arg10 : memref<80x128xf32, #tpu.memory_space<vmem>>) offsets(%arg7 : memref<80xi32, #tpu.memory_space<vmem>>) semaphore(%arg12 : memref<!tpu.dma_semaphore, #tpu.memory_space<semaphore_mem>>)
      %dma_wait3A = arith.constant 0 : i32
      %dma_wait3A_133 = arith.constant 0 : i32
      %dma_wait3A_134 = tpu.memref_slice %arg2[%dma_wait3A, %dma_wait3A_133] : memref<10000x128xf32, #tpu.memory_space<hbm>> -> memref<10000x128xf32, #tpu.memory_space<hbm>>
      tpu.wait_indirect_dma semaphore(%arg12 : memref<!tpu.dma_semaphore, #tpu.memory_space<semaphore_mem>>) src(%dma_wait3A_134 : memref<10000x128xf32, #tpu.memory_space<hbm>>) dst(%arg10 : memref<80x128xf32, #tpu.memory_space<vmem>>)
      %scan3A_135 = arith.constant 0 : i32
      %scan3A_136 = arith.constant 0 : i32
      %scan3A_137 = arith.constant 80 : i32
      %scan3A_138 = arith.addi %scan3A_136, %scan3A_137 : i32
      %scan3A_139 = arith.constant 1 : i32
      %scan3A_140 = scf.for %scan3A_143 = %scan3A_136 to %scan3A_138 step %scan3A_139 iter_args(%scan3A_144 = %scan3A_135) -> (i32)  : i32 {
        %broadcast_in_dim3A = arith.constant 0 : i32
        %broadcast_in_dim3A_145 = vector.broadcast %broadcast_in_dim3A : i32 to vector<16xi32>
        %add3A_146 = vector.broadcast %scan3A_143 : i32 to vector<16xi32>
        %add3A_147 = arith.addi %broadcast_in_dim3A_145, %add3A_146 : vector<16xi32>
        %gather3A = tpu.vector_load_idx %arg9[%add3A_147] : memref<80xf32, #tpu.memory_space<vmem>>[vector<16xi32>], vector<16xf32>,
        %get3A = arith.index_cast %scan3A_143 : i32 to index
        %get3A_148 = arith.constant 0 : index
        %get3A_149 = tpu.vector_load %arg10[%get3A, %get3A_148] {strides = array<i32>} : memref<80x128xf32, #tpu.memory_space<vmem>>, vector<16xf32>,
        %mul3A_150 = arith.mulf %get3A_149, %gather3A : vector<16xf32>
        %swap3A = arith.index_cast %scan3A_143 : i32 to index
        %swap3A_151 = arith.constant 0 : index
        %swap3A_152 = tpu.vector_load %arg10[%swap3A, %swap3A_151] {strides = array<i32>} : memref<80x128xf32, #tpu.memory_space<vmem>>, vector<16xf32>,
        tpu.vector_store %arg10[%swap3A, %swap3A_151], %mul3A_150 {strides = array<i32>} : memref<80x128xf32, #tpu.memory_space<vmem>>, vector<16xf32>,
        %get3A_153 = arith.index_cast %scan3A_143 : i32 to index
        %get3A_154 = arith.constant 16 : index
        %get3A_155 = tpu.vector_load %arg10[%get3A_153, %get3A_154] {strides = array<i32>} : memref<80x128xf32, #tpu.memory_space<vmem>>, vector<16xf32>,
        %mul3A_156 = arith.mulf %get3A_155, %gather3A : vector<16xf32>
        %swap3A_157 = arith.index_cast %scan3A_143 : i32 to index
        %swap3A_158 = arith.constant 16 : index
        %swap3A_159 = tpu.vector_load %arg10[%swap3A_157, %swap3A_158] {strides = array<i32>} : memref<80x128xf32, #tpu.memory_space<vmem>>, vector<16xf32>,
        tpu.vector_store %arg10[%swap3A_157, %swap3A_158], %mul3A_156 {strides = array<i32>} : memref<80x128xf32, #tpu.memory_space<vmem>>, vector<16xf32>,
        %get3A_160 = arith.index_cast %scan3A_143 : i32 to index
        %get3A_161 = arith.constant 32 : index
        %get3A_162 = tpu.vector_load %arg10[%get3A_160, %get3A_161] {strides = array<i32>} : memref<80x128xf32, #tpu.memory_space<vmem>>, vector<16xf32>,
        %mul3A_163 = arith.mulf %get3A_162, %gather3A : vector<16xf32>
        %swap3A_164 = arith.index_cast %scan3A_143 : i32 to index
        %swap3A_165 = arith.constant 32 : index
        %swap3A_166 = tpu.vector_load %arg10[%swap3A_164, %swap3A_165] {strides = array<i32>} : memref<80x128xf32, #tpu.memory_space<vmem>>, vector<16xf32>,
        tpu.vector_store %arg10[%swap3A_164, %swap3A_165], %mul3A_163 {strides = array<i32>} : memref<80x128xf32, #tpu.memory_space<vmem>>, vector<16xf32>,
        %get3A_167 = arith.index_cast %scan3A_143 : i32 to index
        %get3A_168 = arith.constant 48 : index
        %get3A_169 = tpu.vector_load %arg10[%get3A_167, %get3A_168] {strides = array<i32>} : memref<80x128xf32, #tpu.memory_space<vmem>>, vector<16xf32>,
        %mul3A_170 = arith.mulf %get3A_169, %gather3A : vector<16xf32>
        %swap3A_171 = arith.index_cast %scan3A_143 : i32 to index
        %swap3A_172 = arith.constant 48 : index
        %swap3A_173 = tpu.vector_load %arg10[%swap3A_171, %swap3A_172] {strides = array<i32>} : memref<80x128xf32, #tpu.memory_space<vmem>>, vector<16xf32>,
        tpu.vector_store %arg10[%swap3A_171, %swap3A_172], %mul3A_170 {strides = array<i32>} : memref<80x128xf32, #tpu.memory_space<vmem>>, vector<16xf32>,
        %get3A_174 = arith.index_cast %scan3A_143 : i32 to index
        %get3A_175 = arith.constant 64 : index
        %get3A_176 = tpu.vector_load %arg10[%get3A_174, %get3A_175] {strides = array<i32>} : memref<80x128xf32, #tpu.memory_space<vmem>>, vector<16xf32>,
        %mul3A_177 = arith.mulf %get3A_176, %gather3A : vector<16xf32>
        %swap3A_178 = arith.index_cast %scan3A_143 : i32 to index
        %swap3A_179 = arith.constant 64 : index
        %swap3A_180 = tpu.vector_load %arg10[%swap3A_178, %swap3A_179] {strides = array<i32>} : memref<80x128xf32, #tpu.memory_space<vmem>>, vector<16xf32>,
        tpu.vector_store %arg10[%swap3A_178, %swap3A_179], %mul3A_177 {strides = array<i32>} : memref<80x128xf32, #tpu.memory_space<vmem>>, vector<16xf32>,
        %get3A_181 = arith.index_cast %scan3A_143 : i32 to index
        %get3A_182 = arith.constant 80 : index
        %get3A_183 = tpu.vector_load %arg10[%get3A_181, %get3A_182] {strides = array<i32>} : memref<80x128xf32, #tpu.memory_space<vmem>>, vector<16xf32>,
        %mul3A_184 = arith.mulf %get3A_183, %gather3A : vector<16xf32>
        %swap3A_185 = arith.index_cast %scan3A_143 : i32 to index
        %swap3A_186 = arith.constant 80 : index
        %swap3A_187 = tpu.vector_load %arg10[%swap3A_185, %swap3A_186] {strides = array<i32>} : memref<80x128xf32, #tpu.memory_space<vmem>>, vector<16xf32>,
        tpu.vector_store %arg10[%swap3A_185, %swap3A_186], %mul3A_184 {strides = array<i32>} : memref<80x128xf32, #tpu.memory_space<vmem>>, vector<16xf32>,
        %get3A_188 = arith.index_cast %scan3A_143 : i32 to index
        %get3A_189 = arith.constant 96 : index
        %get3A_190 = tpu.vector_load %arg10[%get3A_188, %get3A_189] {strides = array<i32>} : memref<80x128xf32, #tpu.memory_space<vmem>>, vector<16xf32>,
        %mul3A_191 = arith.mulf %get3A_190, %gather3A : vector<16xf32>
        %swap3A_192 = arith.index_cast %scan3A_143 : i32 to index
        %swap3A_193 = arith.constant 96 : index
        %swap3A_194 = tpu.vector_load %arg10[%swap3A_192, %swap3A_193] {strides = array<i32>} : memref<80x128xf32, #tpu.memory_space<vmem>>, vector<16xf32>,
        tpu.vector_store %arg10[%swap3A_192, %swap3A_193], %mul3A_191 {strides = array<i32>} : memref<80x128xf32, #tpu.memory_space<vmem>>, vector<16xf32>,
        %get3A_195 = arith.index_cast %scan3A_143 : i32 to index
        %get3A_196 = arith.constant 112 : index
        %get3A_197 = tpu.vector_load %arg10[%get3A_195, %get3A_196] {strides = array<i32>} : memref<80x128xf32, #tpu.memory_space<vmem>>, vector<16xf32>,
        %mul3A_198 = arith.mulf %get3A_197, %gather3A : vector<16xf32>
        %swap3A_199 = arith.index_cast %scan3A_143 : i32 to index
        %swap3A_200 = arith.constant 112 : index
        %swap3A_201 = tpu.vector_load %arg10[%swap3A_199, %swap3A_200] {strides = array<i32>} : memref<80x128xf32, #tpu.memory_space<vmem>>, vector<16xf32>,
        tpu.vector_store %arg10[%swap3A_199, %swap3A_200], %mul3A_198 {strides = array<i32>} : memref<80x128xf32, #tpu.memory_space<vmem>>, vector<16xf32>,
        %scan3A_202 = arith.constant 0 : i32
        scf.yield %scan3A_202 : i32
      }
      %scan3A_141 = arith.constant 80 : i32
      "tpu.region"() ({
        %run_scoped3A = tpu.sem_alloc : memref<!tpu.dma_semaphore, #tpu.memory_space<semaphore_mem>>
        %dma_start3A_143 = arith.constant 0 : i32
        %dma_start3A_144 = arith.constant 0 : i32
        %dma_start3A_145 = tpu.memref_slice %arg11[%dma_start3A_143, %dma_start3A_144] : memref<10000x128xf32, #tpu.memory_space<vmem_shared>> -> memref<10000x128xf32, #tpu.memory_space<vmem_shared>>
        tpu.enqueue_indirect_dma source(%arg10 : memref<80x128xf32, #tpu.memory_space<vmem>>) target(%dma_start3A_145 : memref<10000x128xf32, #tpu.memory_space<vmem_shared>>) offsets(%arg8 : memref<80xi32, #tpu.memory_space<vmem>>) semaphore(%run_scoped3A : memref<!tpu.dma_semaphore, #tpu.memory_space<semaphore_mem>>) {add = true}
        %dma_wait3A_146 = arith.constant 0 : i32
        %dma_wait3A_147 = arith.constant 0 : i32
        %dma_wait3A_148 = tpu.memref_slice %arg11[%dma_wait3A_146, %dma_wait3A_147] : memref<10000x128xf32, #tpu.memory_space<vmem_shared>> -> memref<10000x128xf32, #tpu.memory_space<vmem_shared>>
        tpu.wait_indirect_dma semaphore(%run_scoped3A : memref<!tpu.dma_semaphore, #tpu.memory_space<semaphore_mem>>) src(%arg10 : memref<80x128xf32, #tpu.memory_space<vmem>>) dst(%dma_wait3A_148 : memref<10000x128xf32, #tpu.memory_space<vmem_shared>>)
        tpu.yield
      }) : () -> ()
      %scan3A_142 = arith.constant 0 : i32
      scf.yield %scan3A_142 : i32
    }
    %scan3A_66 = arith.constant 125 : i32
    %barrier3A_67 = arith.constant 0 : index
    tpu.barrier barrier_id(%barrier3A_67)
    %add3A_68 = arith.constant 0 : i32
    %add3A_69 = arith.addi %arg1, %add3A_68 : i32
    %lt3A_70 = arith.constant 125 : i32
    %lt3A_71 = arith.cmpi slt, %add3A_69, %lt3A_70 : i32
    %convert_element_type3A_72 = arith.extui %lt3A_71 : i1 to i32
    %cond3A_73 = arith.constant 0 : i32
    %cond3A_74 = arith.cmpi ne, %convert_element_type3A_72, %cond3A_73 : i32
    scf.if %cond3A_74 {
      %mul3A_124 = arith.constant 80 : i32
      %mul3A_125 = arith.muli %add3A_69, %mul3A_124 : i32
      %multiple_of3A = tpu.assume_multiple %mul3A_125, 8 : i32
      "tpu.region"() ({
        %run_scoped3A = tpu.sem_alloc : memref<!tpu.dma_semaphore, #tpu.memory_space<semaphore_mem>>
        %dma_start3A = arith.constant 0 : i32
        %dma_start3A_126 = tpu.memref_slice %arg6[%arg0, %multiple_of3A, %dma_start3A] : memref<2x10000x128xf32, #tpu.memory_space<hbm>> -> memref<1x80x128xf32, #tpu.memory_space<hbm>>
        %dma_start3A_127 = tpu.memref_squeeze %dma_start3A_126 : memref<1x80x128xf32, #tpu.memory_space<hbm>> -> memref<80x128xf32, #tpu.memory_space<hbm>>
        %dma_start3A_128 = arith.constant 0 : i32
        %dma_start3A_129 = tpu.memref_slice %arg11[%multiple_of3A, %dma_start3A_128] : memref<10000x128xf32, #tpu.memory_space<vmem_shared>> -> memref<80x128xf32, #tpu.memory_space<vmem_shared>>
        tpu.enqueue_dma source(%dma_start3A_129 : memref<80x128xf32, #tpu.memory_space<vmem_shared>>) target(%dma_start3A_127 : memref<80x128xf32, #tpu.memory_space<hbm>>) target_semaphore(%run_scoped3A : memref<!tpu.dma_semaphore, #tpu.memory_space<semaphore_mem>>)
        %dma_wait3A = arith.constant 0 : i32
        %dma_wait3A_130 = tpu.memref_slice %arg6[%arg0, %multiple_of3A, %dma_wait3A] : memref<2x10000x128xf32, #tpu.memory_space<hbm>> -> memref<1x80x128xf32, #tpu.memory_space<hbm>>
        %dma_wait3A_131 = tpu.memref_squeeze %dma_wait3A_130 : memref<1x80x128xf32, #tpu.memory_space<hbm>> -> memref<80x128xf32, #tpu.memory_space<hbm>>
        %dma_wait3A_132 = arith.constant 0 : i32
        %dma_wait3A_133 = tpu.memref_slice %arg11[%multiple_of3A, %dma_wait3A_132] : memref<10000x128xf32, #tpu.memory_space<vmem_shared>> -> memref<80x128xf32, #tpu.memory_space<vmem_shared>>
        tpu.wait_dma2 semaphore(%run_scoped3A : memref<!tpu.dma_semaphore, #tpu.memory_space<semaphore_mem>>) src(%dma_wait3A_133 : memref<80x128xf32, #tpu.memory_space<vmem_shared>>) dst(%dma_wait3A_131 : memref<80x128xf32, #tpu.memory_space<hbm>>)
        tpu.yield
      }) : () -> ()
    } else {
    }
    %add3A_75 = arith.constant 16 : i32
    %add3A_76 = arith.addi %arg1, %add3A_75 : i32
    %lt3A_77 = arith.constant 125 : i32
    %lt3A_78 = arith.cmpi slt, %add3A_76, %lt3A_77 : i32
    %convert_element_type3A_79 = arith.extui %lt3A_78 : i1 to i32
    %cond3A_80 = arith.constant 0 : i32
    %cond3A_81 = arith.cmpi ne, %convert_element_type3A_79, %cond3A_80 : i32
    scf.if %cond3A_81 {
      %mul3A_124 = arith.constant 80 : i32
      %mul3A_125 = arith.muli %add3A_76, %mul3A_124 : i32
      %multiple_of3A = tpu.assume_multiple %mul3A_125, 8 : i32
      "tpu.region"() ({
        %run_scoped3A = tpu.sem_alloc : memref<!tpu.dma_semaphore, #tpu.memory_space<semaphore_mem>>
        %dma_start3A = arith.constant 0 : i32
        %dma_start3A_126 = tpu.memref_slice %arg6[%arg0, %multiple_of3A, %dma_start3A] : memref<2x10000x128xf32, #tpu.memory_space<hbm>> -> memref<1x80x128xf32, #tpu.memory_space<hbm>>
        %dma_start3A_127 = tpu.memref_squeeze %dma_start3A_126 : memref<1x80x128xf32, #tpu.memory_space<hbm>> -> memref<80x128xf32, #tpu.memory_space<hbm>>
        %dma_start3A_128 = arith.constant 0 : i32
        %dma_start3A_129 = tpu.memref_slice %arg11[%multiple_of3A, %dma_start3A_128] : memref<10000x128xf32, #tpu.memory_space<vmem_shared>> -> memref<80x128xf32, #tpu.memory_space<vmem_shared>>
        tpu.enqueue_dma source(%dma_start3A_129 : memref<80x128xf32, #tpu.memory_space<vmem_shared>>) target(%dma_start3A_127 : memref<80x128xf32, #tpu.memory_space<hbm>>) target_semaphore(%run_scoped3A : memref<!tpu.dma_semaphore, #tpu.memory_space<semaphore_mem>>)
        %dma_wait3A = arith.constant 0 : i32
        %dma_wait3A_130 = tpu.memref_slice %arg6[%arg0, %multiple_of3A, %dma_wait3A] : memref<2x10000x128xf32, #tpu.memory_space<hbm>> -> memref<1x80x128xf32, #tpu.memory_space<hbm>>
        %dma_wait3A_131 = tpu.memref_squeeze %dma_wait3A_130 : memref<1x80x128xf32, #tpu.memory_space<hbm>> -> memref<80x128xf32, #tpu.memory_space<hbm>>
        %dma_wait3A_132 = arith.constant 0 : i32
        %dma_wait3A_133 = tpu.memref_slice %arg11[%multiple_of3A, %dma_wait3A_132] : memref<10000x128xf32, #tpu.memory_space<vmem_shared>> -> memref<80x128xf32, #tpu.memory_space<vmem_shared>>
        tpu.wait_dma2 semaphore(%run_scoped3A : memref<!tpu.dma_semaphore, #tpu.memory_space<semaphore_mem>>) src(%dma_wait3A_133 : memref<80x128xf32, #tpu.memory_space<vmem_shared>>) dst(%dma_wait3A_131 : memref<80x128xf32, #tpu.memory_space<hbm>>)
        tpu.yield
      }) : () -> ()
    } else {
    }
    %add3A_82 = arith.constant 32 : i32
    %add3A_83 = arith.addi %arg1, %add3A_82 : i32
    %lt3A_84 = arith.constant 125 : i32
    %lt3A_85 = arith.cmpi slt, %add3A_83, %lt3A_84 : i32
    %convert_element_type3A_86 = arith.extui %lt3A_85 : i1 to i32
    %cond3A_87 = arith.constant 0 : i32
    %cond3A_88 = arith.cmpi ne, %convert_element_type3A_86, %cond3A_87 : i32
    scf.if %cond3A_88 {
      %mul3A_124 = arith.constant 80 : i32
      %mul3A_125 = arith.muli %add3A_83, %mul3A_124 : i32
      %multiple_of3A = tpu.assume_multiple %mul3A_125, 8 : i32
      "tpu.region"() ({
        %run_scoped3A = tpu.sem_alloc : memref<!tpu.dma_semaphore, #tpu.memory_space<semaphore_mem>>
        %dma_start3A = arith.constant 0 : i32
        %dma_start3A_126 = tpu.memref_slice %arg6[%arg0, %multiple_of3A, %dma_start3A] : memref<2x10000x128xf32, #tpu.memory_space<hbm>> -> memref<1x80x128xf32, #tpu.memory_space<hbm>>
        %dma_start3A_127 = tpu.memref_squeeze %dma_start3A_126 : memref<1x80x128xf32, #tpu.memory_space<hbm>> -> memref<80x128xf32, #tpu.memory_space<hbm>>
        %dma_start3A_128 = arith.constant 0 : i32
        %dma_start3A_129 = tpu.memref_slice %arg11[%multiple_of3A, %dma_start3A_128] : memref<10000x128xf32, #tpu.memory_space<vmem_shared>> -> memref<80x128xf32, #tpu.memory_space<vmem_shared>>
        tpu.enqueue_dma source(%dma_start3A_129 : memref<80x128xf32, #tpu.memory_space<vmem_shared>>) target(%dma_start3A_127 : memref<80x128xf32, #tpu.memory_space<hbm>>) target_semaphore(%run_scoped3A : memref<!tpu.dma_semaphore, #tpu.memory_space<semaphore_mem>>)
        %dma_wait3A = arith.constant 0 : i32
        %dma_wait3A_130 = tpu.memref_slice %arg6[%arg0, %multiple_of3A, %dma_wait3A] : memref<2x10000x128xf32, #tpu.memory_space<hbm>> -> memref<1x80x128xf32, #tpu.memory_space<hbm>>
        %dma_wait3A_131 = tpu.memref_squeeze %dma_wait3A_130 : memref<1x80x128xf32, #tpu.memory_space<hbm>> -> memref<80x128xf32, #tpu.memory_space<hbm>>
        %dma_wait3A_132 = arith.constant 0 : i32
        %dma_wait3A_133 = tpu.memref_slice %arg11[%multiple_of3A, %dma_wait3A_132] : memref<10000x128xf32, #tpu.memory_space<vmem_shared>> -> memref<80x128xf32, #tpu.memory_space<vmem_shared>>
        tpu.wait_dma2 semaphore(%run_scoped3A : memref<!tpu.dma_semaphore, #tpu.memory_space<semaphore_mem>>) src(%dma_wait3A_133 : memref<80x128xf32, #tpu.memory_space<vmem_shared>>) dst(%dma_wait3A_131 : memref<80x128xf32, #tpu.memory_space<hbm>>)
        tpu.yield
      }) : () -> ()
    } else {
    }
    %add3A_89 = arith.constant 48 : i32
    %add3A_90 = arith.addi %arg1, %add3A_89 : i32
    %lt3A_91 = arith.constant 125 : i32
    %lt3A_92 = arith.cmpi slt, %add3A_90, %lt3A_91 : i32
    %convert_element_type3A_93 = arith.extui %lt3A_92 : i1 to i32
    %cond3A_94 = arith.constant 0 : i32
    %cond3A_95 = arith.cmpi ne, %convert_element_type3A_93, %cond3A_94 : i32
    scf.if %cond3A_95 {
      %mul3A_124 = arith.constant 80 : i32
      %mul3A_125 = arith.muli %add3A_90, %mul3A_124 : i32
      %multiple_of3A = tpu.assume_multiple %mul3A_125, 8 : i32
      "tpu.region"() ({
        %run_scoped3A = tpu.sem_alloc : memref<!tpu.dma_semaphore, #tpu.memory_space<semaphore_mem>>
        %dma_start3A = arith.constant 0 : i32
        %dma_start3A_126 = tpu.memref_slice %arg6[%arg0, %multiple_of3A, %dma_start3A] : memref<2x10000x128xf32, #tpu.memory_space<hbm>> -> memref<1x80x128xf32, #tpu.memory_space<hbm>>
        %dma_start3A_127 = tpu.memref_squeeze %dma_start3A_126 : memref<1x80x128xf32, #tpu.memory_space<hbm>> -> memref<80x128xf32, #tpu.memory_space<hbm>>
        %dma_start3A_128 = arith.constant 0 : i32
        %dma_start3A_129 = tpu.memref_slice %arg11[%multiple_of3A, %dma_start3A_128] : memref<10000x128xf32, #tpu.memory_space<vmem_shared>> -> memref<80x128xf32, #tpu.memory_space<vmem_shared>>
        tpu.enqueue_dma source(%dma_start3A_129 : memref<80x128xf32, #tpu.memory_space<vmem_shared>>) target(%dma_start3A_127 : memref<80x128xf32, #tpu.memory_space<hbm>>) target_semaphore(%run_scoped3A : memref<!tpu.dma_semaphore, #tpu.memory_space<semaphore_mem>>)
        %dma_wait3A = arith.constant 0 : i32
        %dma_wait3A_130 = tpu.memref_slice %arg6[%arg0, %multiple_of3A, %dma_wait3A] : memref<2x10000x128xf32, #tpu.memory_space<hbm>> -> memref<1x80x128xf32, #tpu.memory_space<hbm>>
        %dma_wait3A_131 = tpu.memref_squeeze %dma_wait3A_130 : memref<1x80x128xf32, #tpu.memory_space<hbm>> -> memref<80x128xf32, #tpu.memory_space<hbm>>
        %dma_wait3A_132 = arith.constant 0 : i32
        %dma_wait3A_133 = tpu.memref_slice %arg11[%multiple_of3A, %dma_wait3A_132] : memref<10000x128xf32, #tpu.memory_space<vmem_shared>> -> memref<80x128xf32, #tpu.memory_space<vmem_shared>>
        tpu.wait_dma2 semaphore(%run_scoped3A : memref<!tpu.dma_semaphore, #tpu.memory_space<semaphore_mem>>) src(%dma_wait3A_133 : memref<80x128xf32, #tpu.memory_space<vmem_shared>>) dst(%dma_wait3A_131 : memref<80x128xf32, #tpu.memory_space<hbm>>)
        tpu.yield
      }) : () -> ()
    } else {
    }
    %add3A_96 = arith.constant 64 : i32
    %add3A_97 = arith.addi %arg1, %add3A_96 : i32
    %lt3A_98 = arith.constant 125 : i32
    %lt3A_99 = arith.cmpi slt, %add3A_97, %lt3A_98 : i32
    %convert_element_type3A_100 = arith.extui %lt3A_99 : i1 to i32
    %cond3A_101 = arith.constant 0 : i32
    %cond3A_102 = arith.cmpi ne, %convert_element_type3A_100, %cond3A_101 : i32
    scf.if %cond3A_102 {
      %mul3A_124 = arith.constant 80 : i32
      %mul3A_125 = arith.muli %add3A_97, %mul3A_124 : i32
      %multiple_of3A = tpu.assume_multiple %mul3A_125, 8 : i32
      "tpu.region"() ({
        %run_scoped3A = tpu.sem_alloc : memref<!tpu.dma_semaphore, #tpu.memory_space<semaphore_mem>>
        %dma_start3A = arith.constant 0 : i32
        %dma_start3A_126 = tpu.memref_slice %arg6[%arg0, %multiple_of3A, %dma_start3A] : memref<2x10000x128xf32, #tpu.memory_space<hbm>> -> memref<1x80x128xf32, #tpu.memory_space<hbm>>
        %dma_start3A_127 = tpu.memref_squeeze %dma_start3A_126 : memref<1x80x128xf32, #tpu.memory_space<hbm>> -> memref<80x128xf32, #tpu.memory_space<hbm>>
        %dma_start3A_128 = arith.constant 0 : i32
        %dma_start3A_129 = tpu.memref_slice %arg11[%multiple_of3A, %dma_start3A_128] : memref<10000x128xf32, #tpu.memory_space<vmem_shared>> -> memref<80x128xf32, #tpu.memory_space<vmem_shared>>
        tpu.enqueue_dma source(%dma_start3A_129 : memref<80x128xf32, #tpu.memory_space<vmem_shared>>) target(%dma_start3A_127 : memref<80x128xf32, #tpu.memory_space<hbm>>) target_semaphore(%run_scoped3A : memref<!tpu.dma_semaphore, #tpu.memory_space<semaphore_mem>>)
        %dma_wait3A = arith.constant 0 : i32
        %dma_wait3A_130 = tpu.memref_slice %arg6[%arg0, %multiple_of3A, %dma_wait3A] : memref<2x10000x128xf32, #tpu.memory_space<hbm>> -> memref<1x80x128xf32, #tpu.memory_space<hbm>>
        %dma_wait3A_131 = tpu.memref_squeeze %dma_wait3A_130 : memref<1x80x128xf32, #tpu.memory_space<hbm>> -> memref<80x128xf32, #tpu.memory_space<hbm>>
        %dma_wait3A_132 = arith.constant 0 : i32
        %dma_wait3A_133 = tpu.memref_slice %arg11[%multiple_of3A, %dma_wait3A_132] : memref<10000x128xf32, #tpu.memory_space<vmem_shared>> -> memref<80x128xf32, #tpu.memory_space<vmem_shared>>
        tpu.wait_dma2 semaphore(%run_scoped3A : memref<!tpu.dma_semaphore, #tpu.memory_space<semaphore_mem>>) src(%dma_wait3A_133 : memref<80x128xf32, #tpu.memory_space<vmem_shared>>) dst(%dma_wait3A_131 : memref<80x128xf32, #tpu.memory_space<hbm>>)
        tpu.yield
      }) : () -> ()
    } else {
    }
    %add3A_103 = arith.constant 80 : i32
    %add3A_104 = arith.addi %arg1, %add3A_103 : i32
    %lt3A_105 = arith.constant 125 : i32
    %lt3A_106 = arith.cmpi slt, %add3A_104, %lt3A_105 : i32
    %convert_element_type3A_107 = arith.extui %lt3A_106 : i1 to i32
    %cond3A_108 = arith.constant 0 : i32
    %cond3A_109 = arith.cmpi ne, %convert_element_type3A_107, %cond3A_108 : i32
    scf.if %cond3A_109 {
      %mul3A_124 = arith.constant 80 : i32
      %mul3A_125 = arith.muli %add3A_104, %mul3A_124 : i32
      %multiple_of3A = tpu.assume_multiple %mul3A_125, 8 : i32
      "tpu.region"() ({
        %run_scoped3A = tpu.sem_alloc : memref<!tpu.dma_semaphore, #tpu.memory_space<semaphore_mem>>
        %dma_start3A = arith.constant 0 : i32
        %dma_start3A_126 = tpu.memref_slice %arg6[%arg0, %multiple_of3A, %dma_start3A] : memref<2x10000x128xf32, #tpu.memory_space<hbm>> -> memref<1x80x128xf32, #tpu.memory_space<hbm>>
        %dma_start3A_127 = tpu.memref_squeeze %dma_start3A_126 : memref<1x80x128xf32, #tpu.memory_space<hbm>> -> memref<80x128xf32, #tpu.memory_space<hbm>>
        %dma_start3A_128 = arith.constant 0 : i32
        %dma_start3A_129 = tpu.memref_slice %arg11[%multiple_of3A, %dma_start3A_128] : memref<10000x128xf32, #tpu.memory_space<vmem_shared>> -> memref<80x128xf32, #tpu.memory_space<vmem_shared>>
        tpu.enqueue_dma source(%dma_start3A_129 : memref<80x128xf32, #tpu.memory_space<vmem_shared>>) target(%dma_start3A_127 : memref<80x128xf32, #tpu.memory_space<hbm>>) target_semaphore(%run_scoped3A : memref<!tpu.dma_semaphore, #tpu.memory_space<semaphore_mem>>)
        %dma_wait3A = arith.constant 0 : i32
        %dma_wait3A_130 = tpu.memref_slice %arg6[%arg0, %multiple_of3A, %dma_wait3A] : memref<2x10000x128xf32, #tpu.memory_space<hbm>> -> memref<1x80x128xf32, #tpu.memory_space<hbm>>
        %dma_wait3A_131 = tpu.memref_squeeze %dma_wait3A_130 : memref<1x80x128xf32, #tpu.memory_space<hbm>> -> memref<80x128xf32, #tpu.memory_space<hbm>>
        %dma_wait3A_132 = arith.constant 0 : i32
        %dma_wait3A_133 = tpu.memref_slice %arg11[%multiple_of3A, %dma_wait3A_132] : memref<10000x128xf32, #tpu.memory_space<vmem_shared>> -> memref<80x128xf32, #tpu.memory_space<vmem_shared>>
        tpu.wait_dma2 semaphore(%run_scoped3A : memref<!tpu.dma_semaphore, #tpu.memory_space<semaphore_mem>>) src(%dma_wait3A_133 : memref<80x128xf32, #tpu.memory_space<vmem_shared>>) dst(%dma_wait3A_131 : memref<80x128xf32, #tpu.memory_space<hbm>>)
        tpu.yield
      }) : () -> ()
    } else {
    }
    %add3A_110 = arith.constant 96 : i32
    %add3A_111 = arith.addi %arg1, %add3A_110 : i32
    %lt3A_112 = arith.constant 125 : i32
    %lt3A_113 = arith.cmpi slt, %add3A_111, %lt3A_112 : i32
    %convert_element_type3A_114 = arith.extui %lt3A_113 : i1 to i32
    %cond3A_115 = arith.constant 0 : i32
    %cond3A_116 = arith.cmpi ne, %convert_element_type3A_114, %cond3A_115 : i32
    scf.if %cond3A_116 {
      %mul3A_124 = arith.constant 80 : i32
      %mul3A_125 = arith.muli %add3A_111, %mul3A_124 : i32
      %multiple_of3A = tpu.assume_multiple %mul3A_125, 8 : i32
      "tpu.region"() ({
        %run_scoped3A = tpu.sem_alloc : memref<!tpu.dma_semaphore, #tpu.memory_space<semaphore_mem>>
        %dma_start3A = arith.constant 0 : i32
        %dma_start3A_126 = tpu.memref_slice %arg6[%arg0, %multiple_of3A, %dma_start3A] : memref<2x10000x128xf32, #tpu.memory_space<hbm>> -> memref<1x80x128xf32, #tpu.memory_space<hbm>>
        %dma_start3A_127 = tpu.memref_squeeze %dma_start3A_126 : memref<1x80x128xf32, #tpu.memory_space<hbm>> -> memref<80x128xf32, #tpu.memory_space<hbm>>
        %dma_start3A_128 = arith.constant 0 : i32
        %dma_start3A_129 = tpu.memref_slice %arg11[%multiple_of3A, %dma_start3A_128] : memref<10000x128xf32, #tpu.memory_space<vmem_shared>> -> memref<80x128xf32, #tpu.memory_space<vmem_shared>>
        tpu.enqueue_dma source(%dma_start3A_129 : memref<80x128xf32, #tpu.memory_space<vmem_shared>>) target(%dma_start3A_127 : memref<80x128xf32, #tpu.memory_space<hbm>>) target_semaphore(%run_scoped3A : memref<!tpu.dma_semaphore, #tpu.memory_space<semaphore_mem>>)
        %dma_wait3A = arith.constant 0 : i32
        %dma_wait3A_130 = tpu.memref_slice %arg6[%arg0, %multiple_of3A, %dma_wait3A] : memref<2x10000x128xf32, #tpu.memory_space<hbm>> -> memref<1x80x128xf32, #tpu.memory_space<hbm>>
        %dma_wait3A_131 = tpu.memref_squeeze %dma_wait3A_130 : memref<1x80x128xf32, #tpu.memory_space<hbm>> -> memref<80x128xf32, #tpu.memory_space<hbm>>
        %dma_wait3A_132 = arith.constant 0 : i32
        %dma_wait3A_133 = tpu.memref_slice %arg11[%multiple_of3A, %dma_wait3A_132] : memref<10000x128xf32, #tpu.memory_space<vmem_shared>> -> memref<80x128xf32, #tpu.memory_space<vmem_shared>>
        tpu.wait_dma2 semaphore(%run_scoped3A : memref<!tpu.dma_semaphore, #tpu.memory_space<semaphore_mem>>) src(%dma_wait3A_133 : memref<80x128xf32, #tpu.memory_space<vmem_shared>>) dst(%dma_wait3A_131 : memref<80x128xf32, #tpu.memory_space<hbm>>)
        tpu.yield
      }) : () -> ()
    } else {
    }
    %add3A_117 = arith.constant 112 : i32
    %add3A_118 = arith.addi %arg1, %add3A_117 : i32
    %lt3A_119 = arith.constant 125 : i32
    %lt3A_120 = arith.cmpi slt, %add3A_118, %lt3A_119 : i32
    %convert_element_type3A_121 = arith.extui %lt3A_120 : i1 to i32
    %cond3A_122 = arith.constant 0 : i32
    %cond3A_123 = arith.cmpi ne, %convert_element_type3A_121, %cond3A_122 : i32
    scf.if %cond3A_123 {
      %mul3A_124 = arith.constant 80 : i32
      %mul3A_125 = arith.muli %add3A_118, %mul3A_124 : i32
      %multiple_of3A = tpu.assume_multiple %mul3A_125, 8 : i32
      "tpu.region"() ({
        %run_scoped3A = tpu.sem_alloc : memref<!tpu.dma_semaphore, #tpu.memory_space<semaphore_mem>>
        %dma_start3A = arith.constant 0 : i32
        %dma_start3A_126 = tpu.memref_slice %arg6[%arg0, %multiple_of3A, %dma_start3A] : memref<2x10000x128xf32, #tpu.memory_space<hbm>> -> memref<1x80x128xf32, #tpu.memory_space<hbm>>
        %dma_start3A_127 = tpu.memref_squeeze %dma_start3A_126 : memref<1x80x128xf32, #tpu.memory_space<hbm>> -> memref<80x128xf32, #tpu.memory_space<hbm>>
        %dma_start3A_128 = arith.constant 0 : i32
        %dma_start3A_129 = tpu.memref_slice %arg11[%multiple_of3A, %dma_start3A_128] : memref<10000x128xf32, #tpu.memory_space<vmem_shared>> -> memref<80x128xf32, #tpu.memory_space<vmem_shared>>
        tpu.enqueue_dma source(%dma_start3A_129 : memref<80x128xf32, #tpu.memory_space<vmem_shared>>) target(%dma_start3A_127 : memref<80x128xf32, #tpu.memory_space<hbm>>) target_semaphore(%run_scoped3A : memref<!tpu.dma_semaphore, #tpu.memory_space<semaphore_mem>>)
        %dma_wait3A = arith.constant 0 : i32
        %dma_wait3A_130 = tpu.memref_slice %arg6[%arg0, %multiple_of3A, %dma_wait3A] : memref<2x10000x128xf32, #tpu.memory_space<hbm>> -> memref<1x80x128xf32, #tpu.memory_space<hbm>>
        %dma_wait3A_131 = tpu.memref_squeeze %dma_wait3A_130 : memref<1x80x128xf32, #tpu.memory_space<hbm>> -> memref<80x128xf32, #tpu.memory_space<hbm>>
        %dma_wait3A_132 = arith.constant 0 : i32
        %dma_wait3A_133 = tpu.memref_slice %arg11[%multiple_of3A, %dma_wait3A_132] : memref<10000x128xf32, #tpu.memory_space<vmem_shared>> -> memref<80x128xf32, #tpu.memory_space<vmem_shared>>
        tpu.wait_dma2 semaphore(%run_scoped3A : memref<!tpu.dma_semaphore, #tpu.memory_space<semaphore_mem>>) src(%dma_wait3A_133 : memref<80x128xf32, #tpu.memory_space<vmem_shared>>) dst(%dma_wait3A_131 : memref<80x128xf32, #tpu.memory_space<hbm>>)
        tpu.yield
      }) : () -> ()
    } else {
    }
    return
  }
}

module attributes {stable_mosaic.version = 14 : i64} {
  func.func @body(%arg0: i32, %arg1: memref<1x1xf32, #tpu.memory_space<vmem>>, %arg2: memref<2x1000x128xf32, #tpu.memory_space<vmem>>, %arg3: memref<128x128xf32, #tpu.memory_space<vmem>>, %arg4: memref<1000x128xf32, #tpu.memory_space<vmem>>) attributes {dimension_semantics = [#tpu.dimension_semantics<arbitrary>], iteration_bounds = array<i64: 10>, scalar_prefetch = 0 : i64, scratch_operands = 0 : i64, tpu.core_type = #tpu.core_type<tc>, window_params = [{pipeline_mode = #tpu.pipeline_mode<synchronous>, transform_indices = @transform_0, window_bounds = array<i64: 1, 1>}, {transform_indices = @transform_1, window_bounds = array<i64: 2, 1000, 128>}, {pipeline_mode = #tpu.pipeline_mode<synchronous>, transform_indices = @transform_2, window_bounds = array<i64: 128, 128>}, {transform_indices = @transform_3, window_bounds = array<i64: 1000, 128>}]} {
    %get3A = arith.constant 0 : index
    %get3A_0 = arith.constant 0 : index
    %get3A_1 = arith.constant 0 : index
    %get3A_2 = vector.load %arg2[%get3A, %get3A_0, %get3A_1] : memref<2x1000x128xf32, #tpu.memory_space<vmem>>, vector<1x1000x128xf32>
    %get3A_3 = vector.shape_cast %get3A_2 : vector<1x1000x128xf32> to vector<1000x128xf32>
    %get3A_4 = arith.constant 1 : index
    %get3A_5 = arith.constant 0 : index
    %get3A_6 = arith.constant 0 : index
    %get3A_7 = vector.load %arg2[%get3A_4, %get3A_5, %get3A_6] : memref<2x1000x128xf32, #tpu.memory_space<vmem>>, vector<1x1000x128xf32>
    %get3A_8 = vector.shape_cast %get3A_7 : vector<1x1000x128xf32> to vector<1000x128xf32>
    %add3A = arith.addf %get3A_3, %get3A_8 : vector<1000x128xf32>
    %get3A_9 = arith.constant 0 : index
    %get3A_10 = arith.constant 0 : index
    %get3A_11 = vector.load %arg3[%get3A_9, %get3A_10] : memref<128x128xf32, #tpu.memory_space<vmem>>, vector<128x128xf32>
    %dot_general3A = arith.constant dense<0.000000e+00> : vector<1000x128xf32>
    %dot_general3A_12 = tpu.matmul %add3A, %get3A_11, %dot_general3A {dimension_numbers = #tpu.dot_dimension_numbers<[1], [0], [0], [1], [0, 0, 1, 1], [], []>, transpose_lhs_hint = false} : vector<1000x128xf32>, vector<128x128xf32>, vector<1000x128xf32> -> vector<1000x128xf32>
    %get3A_13 = arith.constant 0 : index
    %get3A_14 = arith.constant 0 : index
    %get3A_15 = vector.load %arg1[%get3A_13, %get3A_14] : memref<1x1xf32, #tpu.memory_space<vmem>>, vector<1x1xf32>
    %get3A_16 = vector.extract %get3A_15[0, 0] : f32 from vector<1x1xf32>
    %ge3A = arith.constant 0.000000e+00 : f32
    %ge3A_17 = vector.broadcast %ge3A : f32 to vector<1000x128xf32>
    %ge3A_18 = arith.cmpf oge, %dot_general3A_12, %ge3A_17 : vector<1000x128xf32>
    %mul3A = vector.broadcast %get3A_16 : f32 to vector<1000x128xf32>
    %mul3A_19 = arith.mulf %mul3A, %dot_general3A_12 : vector<1000x128xf32>
    %select_n3A = arith.select %ge3A_18, %dot_general3A_12, %mul3A_19 : vector<1000x128xi1>, vector<1000x128xf32>
    %swap3A = arith.constant 0 : index
    %swap3A_20 = arith.constant 0 : index
    %swap3A_21 = vector.load %arg4[%swap3A, %swap3A_20] : memref<1000x128xf32, #tpu.memory_space<vmem>>, vector<1000x128xf32>
    tpu.vector_store %arg4[%swap3A, %swap3A_20], %select_n3A {strides = array<i32>} : memref<1000x128xf32, #tpu.memory_space<vmem>>, vector<1000x128xf32>,
    return
  }
  func.func @transform_0(%arg0: i32) -> (i32, i32) {
    %c0_i32 = arith.constant 0 : i32
    %c0_i32_0 = arith.constant 0 : i32
    %c0_i32_1 = arith.constant 0 : i32
    return %c0_i32, %c0_i32_0 : i32, i32
  }
  func.func @transform_1(%arg0: i32) -> (i32, i32, i32) {
    %c0_i32 = arith.constant 0 : i32
    %c0_i32_0 = arith.constant 0 : i32
    %c0_i32_1 = arith.constant 0 : i32
    return %c0_i32, %arg0, %c0_i32_0 : i32, i32, i32
  }
  func.func @transform_2(%arg0: i32) -> (i32, i32) {
    %c0_i32 = arith.constant 0 : i32
    %c0_i32_0 = arith.constant 0 : i32
    %c0_i32_1 = arith.constant 0 : i32
    return %c0_i32, %c0_i32_0 : i32, i32
  }
  func.func @transform_3(%arg0: i32) -> (i32, i32) {
    %c0_i32 = arith.constant 0 : i32
    %c0_i32_0 = arith.constant 0 : i32
    return %arg0, %c0_i32 : i32, i32
  }
}

</mosaic_0001>

<sc_bundles>
// kernel: kernel.4.cloned.1.call-start
scs
__scs_entry_jumppad:
0x0: {  	(pc) =	sbr.rel $0x88, $3  }
0x1: {  	(tag) =	ssettag $0x0;
	lr =	simm.s32 $0x1  }
0x2: {  	[smem:$0x3F9C] =	sst lr;
	_ =	strace $0xD0000000  }
0x3: {  	_ = 	snop  }
0x4: {  	_ = 	snop  }
0x5: {  	_ = 	snop  }
0x6: {  	_ = 	snop  }
0x7: {  	_ = 	snop  }
__scs_overlays_trampoline_lowered:
0x8: {  	[smem:$0x3FAB] =	sst s0  }
0x9: {  	[smem:$0x3FAC] =	sst s1  }
0xa: {  	[smem:$0x3FAD] =	sst s2  }
0xb: {  	[smem:$0x3FAE] =	sst s3  }
0xc: {  	[smem:$0x3FAF] =	sst s4  }
0xd: {  	[smem:$0x3FB0] =	sst s5  }
0xe: {  	[smem:$0x3FB1] =	sst s6  }
0xf: {  	[smem:$0x3FB2] =	sst s7  }
0x10: {  	[smem:$0x3FB3] =	sst s8  }
0x11: {  	[smem:$0x3FB4] =	sst s9;
	s0 =	simm.s32 @!p0 $0x0  }
0x12: {  	s1 =	sld [smem:$0x3F9A];
	s0 =	simm.s32 @p0 $0x1  }
0x13: {  	[smem:$0x3FB5] =	sst s0;
	s0 =	simm.s32 @!p1 $0x0  }
0x14: {  	s2 =	sld [smem:$0x3F99];
	s0 =	simm.s32 @p1 $0x1  }
0x15: {  	[smem:$0x3FB6] =	sst s0;
	s0 =	simm.s32 @!p2 $0x0  }
0x16: {  	s3 =	sld [smem:$0x3FDB];
	s0 =	simm.s32 @p2 $0x1  }
0x17: {  	s4 =	simm.s32 $0x1BF5;
	[smem:$0x3FB8] =	sst s0  }
0x18: {  	s0 =	sld [smem:$0x3F9B];
	_ =	swait.ge [sflag:s4], $0x0  }
0x19: {  	s7 =	sld [smem:$0x3F9C]  }
0x1a: {  	s8 =	sadd.s32 $0xFFFFE003, lr  }
0x1b: {  	s9 =	sadd.s32 $0xFFFFFEF7, lr;
	s5 =	simm.s32 $0xFFFFFFFF;
	p2 =	slt.u32 s8, $0xFFFFF086  }
0x1c: {  	p1 =	slt.u32 s9, $0xF7A;
	s5 =	simm.s32 @!p2 $0x0  }
0x1d: {  	s5 =	simm.s32 @p1 $0x1;
	p0 =	seq.s32 s7, s2  }
0x1e: {  	s7 =	smul.u32 @!p0 $0xF7A, s2;
	p2 =	seq.s32 @!p0 s5, $0x0  }
0x1f: {  	s9 =	smul.u32 $0xF7A, s1;
	s8 =	simm.s32 @!p0 $0x1BF5;
	p2 =	por !p2, p0  }
0x20: {  	[sflag:s8] =	ssyncset.s32 @!p0 $0xFFFFF086;
	s6 =	sadd.s32 @!p0 s3, s7;
	s7 =	simm.s32 @!p0 $0x108  }
0x21: {  	s3 =	sadd.s32 s3, s9;
	s6 =	sadd.s32 @!p0 $0x88, s6;
	s7 =	simm.s32 @p2 $0x1082  }
0x22: {  	[simem:s7], [sflag:s8] =	dma.local @!p0 [hbm:s6], $0xF7A  }
0x23: {  	s9 =	sor.u32 $0xD0000000, s2;
	s6 =	simm.s32 $0x108;
	_ =	swait.ge @!p0 [sflag:s8], $0x0  }
0x24: {  	s3 =	sadd.s32 $0x88, s3;
	s6 =	simm.s32 @!p1 $0x1082;
	[sflag:s4] =	ssyncset.s32 $0xFFFFF086  }
0x25: {  	[simem:s6], [sflag:s4] =	dma.local [hbm:s3], $0xF7A  }
0x26: {  	[smem:$0x3F9C] =	sst s1;
	(tag) =	ssettag s2;
	_ =	strace s9  }
0x27: {  	s1 =	sld [smem:$0x3FAC]  }
0x28: {  	s2 =	sld [smem:$0x3FAD]  }
0x29: {  	s4 =	sld [smem:$0x3FAF]  }
0x2a: {  	p0 =	seq.s32 s5, $0x0;
	s5 =	sld [smem:$0x3FB0]  }
0x2b: {  	s6 =	sld [smem:$0x3FB1]  }
0x2c: {  	s7 =	sld [smem:$0x3FB2]  }
0x2d: {  	s3 =	simm.s32 $0x108;
	s8 =	sld [smem:$0x3FB3]  }
0x2e: {  	s3 =	simm.s32 @!p0 $0x1082;
	s9 =	sld [smem:$0x3FB4]  }
0x2f: {  	lr =	sadd.s32 s0, s3;
	s0 =	sld [smem:$0x3FAB]  }
0x30: {  	s3 =	sld [smem:$0x3FAE]  }
0x31: {  	[smem:$0x3FB7] =	sst s10  }
0x32: {  	s10 =	sld [smem:$0x3FB5];
	_ =	sdelay $0x3  }
0x33: {  	p0 =	seq.s32 s10, $0x1;
	s10 =	sld [smem:$0x3FB7];
	_ =	sdelay $0x3  }
0x34: {  	[smem:$0x3FB7] =	sst s10  }
0x35: {  	s10 =	sld [smem:$0x3FB6];
	_ =	sdelay $0x3  }
0x36: {  	p1 =	seq.s32 s10, $0x1;
	s10 =	sld [smem:$0x3FB7];
	_ =	sdelay $0x3  }
0x37: {  	[smem:$0x3FB7] =	sst s10  }
0x38: {  	s10 =	sld [smem:$0x3FB8]  }
0x39: {  	_ = 	snop;
	(pc) =	sbr.ind lr, $3  }
0x3a: {  	_ = 	snop  }
0x3b: {  	_ = 	snop  }
0x3c: {  	p2 =	seq.s32 s10, $0x1;
	s10 =	sld [smem:$0x3FB7]  }
0x3d: {  	_ =	shalt  }
0x3e: {  	_ =	shalt  }
0x3f: {  	_ =	shalt  }
0x40: {  	_ =	shalt  }
0x41: {  	_ =	shalt  }
0x42: {  	_ =	shalt  }
0x43: {  	_ =	shalt  }
0x44: {  	_ =	shalt  }
0x45: {  	_ =	shalt  }
0x46: {  	_ =	shalt  }
0x47: {  	_ =	shalt  }
0x48: {  	_ =	shalt  }
0x49: {  	_ =	shalt  }
0x4a: {  	_ =	shalt  }
0x4b: {  	_ =	shalt  }
0x4c: {  	_ =	shalt  }
0x4d: {  	_ =	shalt  }
0x4e: {  	_ =	shalt  }
0x4f: {  	_ =	shalt  }
0x50: {  	_ =	shalt  }
0x51: {  	_ =	shalt  }
0x52: {  	_ =	shalt  }
0x53: {  	_ =	shalt  }
0x54: {  	_ =	shalt  }
0x55: {  	_ =	shalt  }
0x56: {  	_ =	shalt  }
0x57: {  	_ =	shalt  }
0x58: {  	_ =	shalt  }
0x59: {  	_ =	shalt  }
0x5a: {  	_ =	shalt  }
0x5b: {  	_ =	shalt  }
0x5c: {  	_ =	shalt  }
0x5d: {  	_ =	shalt  }
0x5e: {  	_ =	shalt  }
0x5f: {  	_ =	shalt  }
0x60: {  	_ =	shalt  }
0x61: {  	_ =	shalt  }
0x62: {  	_ =	shalt  }
0x63: {  	_ =	shalt  }
0x64: {  	_ =	shalt  }
0x65: {  	_ =	shalt  }
0x66: {  	_ =	shalt  }
0x67: {  	_ =	shalt  }
0x68: {  	_ =	shalt  }
0x69: {  	_ =	shalt  }
0x6a: {  	_ =	shalt  }
0x6b: {  	_ =	shalt  }
0x6c: {  	_ =	shalt  }
0x6d: {  	_ =	shalt  }
0x6e: {  	_ =	shalt  }
0x6f: {  	_ =	shalt  }
0x70: {  	_ =	shalt  }
0x71: {  	_ =	shalt  }
0x72: {  	_ =	shalt  }
0x73: {  	_ =	shalt  }
0x74: {  	_ =	shalt  }
0x75: {  	_ =	shalt  }
0x76: {  	_ =	shalt  }
0x77: {  	_ =	shalt  }
0x78: {  	_ =	shalt  }
0x79: {  	_ =	shalt  }
0x7a: {  	_ =	shalt  }
0x7b: {  	_ =	shalt  }
0x7c: {  	_ =	shalt  }
0x7d: {  	_ =	shalt  }
0x7e: {  	_ =	shalt  }
0x7f: {  	_ =	shalt  }
0x80: {  	_ =	shalt  }
0x81: {  	_ =	shalt  }
0x82: {  	_ =	shalt  }
0x83: {  	_ =	shalt  }
0x84: {  	_ =	shalt  }
0x85: {  	_ =	shalt  }
0x86: {  	_ =	shalt  }
0x87: {  	_ =	shalt  }
.Lfunc_end0:
.L_simem_size_0:
called_computation_lowered:
.L_overlay_start_0:
0x88: {  	s2 =	sld [smem:$0x3FD9]  }
0x89: {  	s3 =	sld [smem:$0x3FFE];
	_ =	sdelay $0x1  }
0x8a: {  	s1 =	srdreg.scid  }
0x8b: {  	s0 =	sand.u32 $0x1, s1  }
0x8c: {  	s17 =	sshll.u32 s0, $0xA;
	s2 =	sadd.s32 s3, s2  }
0x8d: {  	s2 =	sadd.s32 s2, s17  }
0x8e: {  	[smem:$0x3FC3] =	sst s2  }
0x8f: {  	_ = 	snop  }
0x90: {  	s2 =	sld [smem:$0x3FC9]  }
0x91: {  	s18 =	sld [smem:$0x3FC7]  }
0x92: {  	s4 =	sld [smem:$0x3FD0];
	(tm) =	ssettm $0x1  }
0x93: {  	s5 =	sld [smem:$0x3FFB];
	_ =	sdelay $0x3  }
0x94: {  	_ =	strace s5  }
0x95: {  	s5 =	sld [smem:$0x3FFC];
	_ =	sdelay $0x3  }
0x96: {  	_ =	strace s5  }
0x97: {  	s5 =	sld [smem:$0x3FFD];
	_ =	sdelay $0x3  }
0x98: {  	_ =	strace s5  }
0x99: {  	_ =	strace $0x8FFFFFFF  }
0x9a: {  	s19 =	sld [smem:$0x3FDB];
	_ =	sdelay $0x1  }
0x9b: {  	s6 =	simm.s32 $_scs_section_size  }
0x9c: {  	s7 =	simm.s32 $_size__tile_overlayer_lowered;
	s8 =	simm.s32 $_tile_overlayer_lowered  }
0x9d: {  	s22 =	simm.s32 $0x1BFF;
	s21 =	sshll.u32 s8, $0x1;
	s5 =	sadd.s32 s6, s19  }
0x9e: {  	s9 =	simm.s32 $0x0;
	s20 =	sshll.u32 s7, $0x1;
	s7 =	sadd.s32 s21, s5  }
0x9f: {  	[timem:s9], [sflag:s22] =	dma.local [hbm:s7], s20  }
0xa0: {  	_ =	swait.ge [sflag:s22], s20  }
0xa1: {  	s6 =	ssub.s32 $0x0, s20;
	[sflag:s22] =	ssyncset.done $0x0  }
0xa2: {  	[sflag:s22] =	ssyncadd.s32 s6;
	_ =	sdelay $0x1  }
0xa3: {  	s23 =	simm.s32 $0x1B8B  }
0xa4: {  	_ =	swait.ge [sflag:s23], $0x1  }
0xa5: {  	[sflag:s23] =	ssyncset.done $0x0  }
0xa6: {  	s25 =	simm.s32 $0x1B8E;
	s24 =	sld [smem:$0x3FFE];
	[sflag:s23] =	ssyncadd.s32 $0xFFFFFFFF  }
0xa7: {  	s26 =	simm.s32 $execute0_lowered;
	[smem:$0x3FD2] =	sst s25  }
0xa8: {  	s7 =	sshll.u32 s26, $0x1;
	_ =	strace $0x80000046;
	[dreg:$0x1] =	wrdreg $0xFFFFFFFF  }
0xa9: {  	s28 =	simm.s32 $_size_execute0_lowered;
	s5 =	sadd.s32 s5, s7;
	[dreg:$0x0] =	wrdreg $0x0  }
0xaa: {  	s7 =	sshll.u32 s28, $0x1;
	[dreg:$0x2] =	wrdreg s5  }
0xab: {  	[dreg:$0x3] =	wrdreg s7  }
0xac: {  	[dreg:$0x4] =	wrdreg $0xC0  }
0xad: {  	_ =	task [dreg:s9], $0x5FFFF  }
0xae: {  	[dreg:$0x1] =	wrdreg $0xFFFFFFFF  }
0xaf: {  	[dreg:$0x0] =	wrdreg $0x60  }
0xb0: {  	[dreg:$0x2] =	wrdreg s2  }
0xb1: {  	[dreg:$0x3] =	wrdreg s24  }
0xb2: {  	[dreg:$0x4] =	wrdreg s4  }
0xb3: {  	[dreg:$0x5] =	wrdreg s18  }
0xb4: {  	[dreg:$0x6] =	wrdreg $0x29800  }
0xb5: {  	[dreg:$0x7] =	wrdreg $0x9  }
0xb6: {  	_ =	task.clear_ibuf [dreg:s9], $0x8FFFF;
	_ =	strace $0x90000046  }
0xb7: {  	s29 =	simm.s32 $0x9;
	_ =	strace $0x80000048  }
0xb8: {  	_ =	swait.ge [sflag:s29], $0x1  }
0xb9: {  	[sflag:s29] =	ssyncadd.s32 $0xFFFFFFFF  }
0xba: {  	_ =	strace $0x90000048  }
0xbb: {  	_ =	sfence  }
0xbc: {  	s30 =	sld [smem:$0x0];
	_ =	sdelay $0x2  }
0xbd: {  	s31 =	sshll.u32 s1, $0xD;
	s1 =	sshrl.u32 s1, $0x2  }
0xbe: {  	s3 =	sand.u32 $0x4000, s31;
	s1 =	sadd.s32 s1, s30  }
0xbf: {  	s0 =	sor.u32 s3, s0;
	s1 =	sshll.u32 s1, $0x11  }
0xc0: {  	s0 =	sor.u32 s1, s0  }
0xc1: {  	s0 =	sadd.s32 $0x8F2B, s0  }
0xc2: {  	[sflag:s0] =	ssyncadd.remote.s32 $0x1  }
0xc3: {  	_ =	sfence.sel $0xFFFF  }
0xc4: {  	[dreg:$0x0] =	wrdreg $0xFFFFFFFF;
	(pc) =	sbr.abs _section_cstart, $3  }
0xc5: {  	[dreg:$0x1] =	wrdreg $0xFFFFFFFF  }
0xc6: {  	_ =	task.clear_ibuf [dreg:s9], $0x2FFFF;
	_ =	strace $0x9FFFFFFF  }
0xc7: {  	(tm) =	ssettm $0x7FFFFFFF  }
tec
execute0_lowered:
.L_overlay_start_1:
0x0: {  	(tag) =	ssettag $0x1  }
0x1: {  	s0 =	rddreg [dreg:$0x0]  }
0x2: {  	s2 =	rddreg [dreg:$0x1]  }
0x3: {  	s3 =	rddreg [dreg:$0x2]  }
0x4: {  	s1 =	srdreg.scid;
	s5 =	rddreg [dreg:$0x3]  }
0x5: {  	s26 =	stileid.u32;
	s6 =	rddreg [dreg:$0x4];
	s7 =	simm.s32 $0x0  }
0x6: {  	s28 =	simm.s32 $0x2;
	s1 =	sand.u32 $0x1, s1;
	s9 =	smul.u32 $0x2800, s26  }
0x7: {  	s29 =	simm.s32 $0x80;
	s8 =	sor.u32 $0x10, s26;
	s4 =	smul.u32 $0x138800, s1  }
0x8: {  	s30 =	simm.s32 $0x100;
	s10 =	sor.u32 $0x20, s26;
	s11 =	smul.u32 $0x2800, s8  }
0x9: {  	s31 =	simm.s32 $0x50;
	s16 =	sor.u32 $0x30, s26;
	s12 =	smul.u32 $0x2800, s10  }
0xa: {  	s17 =	sor.u32 $0x40, s26;
	s18 =	sor.u32 $0x50, s26;
	s13 =	smul.u32 $0x2800, s16  }
0xb: {  	s20 =	sor.u32 $0x60, s26;
	[smem:$0x7FF] =	sst s7;
	s15 =	smul.u32 $0x2800, s17  }
0xc: {  	p0 =	sgt.u32 s26, $0xC;
	s14 =	ssub.s32 $0x2, s1;
	s21 =	smul.u32 $0x2800, s18  }
0xd: {  	s24 =	smul.u32 $0x2800, s20;
	s1 =	sshll.u32 s1, $0x4;
	s19 =	sshrl.u32 s14, $0x1  }
0xe: {  	s8 =	smul.u32 $0xA000, s8;
	s1 =	sor.u32 s26, s1;
	s25 =	ssub.s32 s14, s19  }
0xf: {  	s19 =	sor.u32 $0x70, s26;
	s9 =	sadd.s32 s9, s4;
	s11 =	sadd.s32 s4, s11  }
0x10: {  	s12 =	sadd.s32 s4, s12;
	s13 =	sadd.s32 s4, s13;
	s15 =	sadd.s32 s4, s15  }
0x11: {  	s21 =	sadd.s32 s4, s21;
	s14 =	sadd.s32 s4, s24;
	s8 =	sshrl.u32 s8, $0x2  }
0x12: {  	s22 =	smul.u32 $0x2800, s19;
	s9 =	sshrl.u32 s9, $0x3;
	s11 =	sshrl.u32 s11, $0x3  }
0x13: {  	s23 =	sshrl.u32 s12, $0x3;
	s12 =	sshrl.u32 s15, $0x3;
	s15 =	sshrl.u32 s14, $0x3  }
0x14: {  	s25 =	smax.u32 s25, $0x1;
	s4 =	sadd.s32 s4, s22;
	s22 =	sadd.s32 $0x9E00, s2  }
0x15: {  	s9 =	sadd.s32 s22, s9;
	s24 =	sadd.s32 s22, s23;
	s14 =	sadd.s32 s22, s15  }
0x16: {  	s4 =	sshrl.u32 s4, $0x3;
	s23 =	smul.u32 $0xA000, s16;
	[dreg:$0x6] =	wrdreg s9  }
0x17: {  	s9 =	sadd.s32 s22, s11;
	[dreg:$0x8] =	wrdreg s24;
	s11 =	sshrl.u32 s13, $0x3  }
0x18: {  	s13 =	sshrl.u32 s21, $0x3;
	s21 =	smul.u32 $0xA000, s26;
	s15 =	sadd.s32 s22, s4  }
0x19: {  	s24 =	smul.u32 $0xA000, s17;
	s17 =	sadd.s32 s8, s6;
	s26 =	simm.s32 $0x180  }
0x1a: {  	[dreg:$0x7] =	wrdreg s9;
	s9 =	sadd.s32 s22, s11;
	s13 =	sadd.s32 s22, s13  }
0x1b: {  	[dreg:$0x9] =	wrdreg s9;
	s9 =	sadd.s32 s22, s12;
	s22 =	smul.u32 $0xA000, s10  }
0x1c: {  	s12 =	smul.u32 $0xA000, s18;
	s10 =	sshrl.u32 s23, $0x2;
	s11 =	sshrl.u32 s24, $0x2  }
0x1d: {  	[dreg:$0xa] =	wrdreg s9;
	s9 =	sshrl.u32 s21, $0x2;
	s21 =	smul.u32 $0xA000, s20  }
0x1e: {  	s20 =	sadd.s32 s11, s6;
	_ =	strace $0x80000047;
	s16 =	sadd.s32 s9, s6  }
0x1f: {  	s4 =	sshrl.u32 s22, $0x2;
	s22 =	smul.u32 $0xA000, s19;
	s19 =	sadd.s32 s10, s6  }
0x20: {  	s23 =	sshrl.u32 s12, $0x2;
	s18 =	sadd.s32 s4, s6;
	s8 =	sshrl.u32 s21, $0x2  }
0x21: {  	s21 =	sadd.s32 s23, s6;
	s4 =	simm.s32 $0x1;
	s24 =	sshrl.u32 s22, $0x2  }
0x22: {  	v0 =	vimm.f32 $0.0e+00;
	s22 =	sadd.s32 s8, s6;
	s23 =	sadd.s32 s24, s6;
	s24 =	smul.u32 $0x2710, s1  }
.LBB2_1:
0x23: {  	s1 =	simm.s32 $0x0;
	s8 =	simm.s32 $0x200  }
.LBB2_2:
0x24: {  	p1 =	sne.s32 s8, $0x9E00;
	[tilespmem:s1+$0x1F0] =	vst v0  }
0x25: {  	[tilespmem:s1+$0x180] =	vst v0  }
0x26: {  	[tilespmem:s1+$0x190] =	vst v0  }
.Ltmp0:
0x27: {  	[tilespmem:s1+$0x1A0] =	vst v0;
	(pc) =	sbr.rel @p1 .LBB2_2-.Ltmp0, $4  }
0x28: {  	[tilespmem:s1+$0x1B0] =	vst v0  }
0x29: {  	[tilespmem:s1+$0x1C0] =	vst v0  }
0x2a: {  	[tilespmem:s1+$0x1D0] =	vst v0  }
0x2b: {  	[tilespmem:s1+$0x1E0] =	vst v0;
	s1 =	sshra.s32 s8, $0x2;
	s8 =	sadd.s32 $0x200, s8  }
0x2c: {  	[tilespmem:s1+$0x1F0] =	vst v0  }
0x2d: {  	[tilespmem:s1+$0x180] =	vst v0  }
0x2e: {  	[tilespmem:s1+$0x190] =	vst v0  }
0x2f: {  	[tilespmem:s1+$0x1A0] =	vst v0  }
0x30: {  	[tilespmem:s1+$0x1B0] =	vst v0  }
0x31: {  	[tilespmem:s1+$0x1C0] =	vst v0  }
0x32: {  	[tilespmem:s1+$0x1D0] =	vst v0  }
0x33: {  	[tilespmem:s1+$0x1E0] =	vst v0  }
0x34: {  	[spmem:s16] =	stream.linear.scatter [tilespmem:s26], [sflag:$0x2], $0x2800, $0x38;
	[tilespmem:$0x16200] =	vst v63  }
0x35: {  	_ =	swait.ge [sflag:s28], $0x2800  }
0x36: {  	[sflag:s28] =	ssyncset.done $0x0  }
0x37: {  	[sflag:s28] =	ssyncadd.s32 $0xFFFFD800  }
0x38: {  	[spmem:s17] =	stream.linear.scatter [tilespmem:s26], [sflag:$0x2], $0x2800, $0x38;
	[tilespmem:$0x16200] =	vst v63  }
0x39: {  	_ =	swait.ge [sflag:s28], $0x2800  }
0x3a: {  	[sflag:s28] =	ssyncset.done $0x0  }
0x3b: {  	[sflag:s28] =	ssyncadd.s32 $0xFFFFD800  }
0x3c: {  	[spmem:s18] =	stream.linear.scatter [tilespmem:s26], [sflag:$0x2], $0x2800, $0x38;
	[tilespmem:$0x16200] =	vst v63  }
0x3d: {  	_ =	swait.ge [sflag:s28], $0x2800  }
0x3e: {  	[sflag:s28] =	ssyncset.done $0x0  }
0x3f: {  	[sflag:s28] =	ssyncadd.s32 $0xFFFFD800  }
0x40: {  	[spmem:s19] =	stream.linear.scatter [tilespmem:s26], [sflag:$0x2], $0x2800, $0x38;
	[tilespmem:$0x16200] =	vst v63  }
0x41: {  	_ =	swait.ge [sflag:s28], $0x2800  }
0x42: {  	[sflag:s28] =	ssyncset.done $0x0  }
0x43: {  	[sflag:s28] =	ssyncadd.s32 $0xFFFFD800  }
0x44: {  	[spmem:s20] =	stream.linear.scatter [tilespmem:s26], [sflag:$0x2], $0x2800, $0x38;
	[tilespmem:$0x16200] =	vst v63  }
0x45: {  	_ =	swait.ge [sflag:s28], $0x2800  }
0x46: {  	[sflag:s28] =	ssyncset.done $0x0  }
0x47: {  	[sflag:s28] =	ssyncadd.s32 $0xFFFFD800  }
0x48: {  	[spmem:s21] =	stream.linear.scatter [tilespmem:s26], [sflag:$0x2], $0x2800, $0x38;
	[tilespmem:$0x16200] =	vst v63  }
0x49: {  	_ =	swait.ge [sflag:s28], $0x2800  }
0x4a: {  	[sflag:s28] =	ssyncset.done $0x0  }
0x4b: {  	[sflag:s28] =	ssyncadd.s32 $0xFFFFD800  }
0x4c: {  	[spmem:s22] =	stream.linear.scatter [tilespmem:s26], [sflag:$0x2], $0x2800, $0x38;
	[tilespmem:$0x16200] =	vst v63  }
0x4d: {  	_ =	swait.ge [sflag:s28], $0x2800  }
0x4e: {  	[sflag:s28] =	ssyncset.done $0x0  }
0x4f: {  	s1 =	simm.s32 @!p0 $0x180;
	[sflag:s28] =	ssyncadd.s32 $0xFFFFD800  }
0x50: {  	[spmem:s23] =	stream.linear.scatter @!p0 [tilespmem:s1], [sflag:$0x2], $0x2800, $0x38;
	[tilespmem:$0x16200] =	vst v63  }
0x51: {  	s1 =	simm.s32 @!p0 $0x2  }
0x52: {  	_ =	swait.ge @!p0 [sflag:s1], $0x2800  }
0x53: {  	[sflag:s1] =	ssyncset.done @!p0 $0x0  }
0x54: {  	[sflag:s1] =	ssyncadd.s32 @!p0 $0xFFFFD800  }
0x55: {  	s8 =	simm.s32 $0x0;
	s1 =	simm.s32 $0x0;
	[bflag:$0x0] =	sbarrier.arrive $0xFFFF  }
.LBB2_4:
0x56: {  	s9 =	smul.u32 $0x50, s8;
	_ =	sdelay $0x1  }
0x57: {  	s9 =	sadd.s32 s24, s9  }
0x58: {  	s9 =	sshrl.u32 s9, $0x3  }
0x59: {  	s10 =	sadd.s32 s3, s9  }
0x5a: {  	[tilespmem:s1], [sflag:$0x2] =	stream.linear.gather [hbm4b:s10+s1], $0x50, $0x38;
	[tilespmem:$0x16200] =	vst v63  }
0x5b: {  	_ =	swait.ge [sflag:s28], $0x50  }
0x5c: {  	[sflag:s28] =	ssyncset.done $0x0  }
0x5d: {  	s12 =	sadd.s32 s2, s9;
	[sflag:s28] =	ssyncadd.s32 $0xFFFFFFB0  }
0x5e: {  	[tilespmem:s29], [sflag:$0x2] =	stream.linear.gather [hbm4b:s12+s1], $0x50, $0x38;
	[tilespmem:$0x16200] =	vst v63  }
0x5f: {  	_ =	swait.ge [sflag:s28], $0x50  }
0x60: {  	[sflag:s28] =	ssyncset.done $0x0  }
0x61: {  	s9 =	sadd.s32 s5, s9;
	[sflag:s28] =	ssyncadd.s32 $0xFFFFFFB0  }
0x62: {  	[tilespmem:s30], [sflag:$0x2] =	stream.linear.gather [hbm4b:s9+s1], $0x50, $0x38;
	[tilespmem:$0x16200] =	vst v63  }
0x63: {  	_ =	swait.ge [sflag:s28], $0x50  }
0x64: {  	[sflag:s28] =	ssyncset.done $0x0  }
0x65: {  	[sflag:s28] =	ssyncadd.s32 $0xFFFFFFB0  }
0x66: {  	[tilespmem:s26], [sflag:$0x1] =	stream.indirect.gather [hbm4b:s0+s31], $0x80, s1, s31, $0xb8;
	[tilespmem:$0x16200] =	vst v63  }
0x67: {  	_ =	swait.ge [sflag:s4], $0x2800  }
0x68: {  	v1 =	vmov s1;
	[sflag:s4] =	ssyncset.done $0x0  }
0x69: {  	s9 =	simm.s32 $0x1C0;
	[sflag:s4] =	ssyncadd.s32 $0xFFFFD800  }
0x6a: {  	v5 =	vld [tilespmem:s9+$0x30]  }
0x6b: {  	v8 =	vld [tilespmem:s9+$0x10]  }
0x6c: {  	v6 =	vld [tilespmem:s9+$0xFFFFFFC0]  }
0x6d: {  	v2 =	vld.idx.msk [tilespmem:v1+s30+$0x0], $0xffff  }
0x6e: {  	v10 =	vld [tilespmem:s9+$0xFFFFFFE0]  }
0x6f: {  	v1 =	vld [tilespmem:s9+$0xFFFFFFF0]  }
0x70: {  	v3 =	vld [tilespmem:s9+$0x20]  }
0x71: {  	v4 =	vld [tilespmem:s9+$0xFFFFFFD0]  }
0x72: {  	v9 =	vmul.f32 v5, v2;
	v5 =	vld [tilespmem:s9+$0x0]  }
0x73: {  	v7 =	vmul.f32 v6, v2  }
0x74: {  	s11 =	simm.s32 $0x1C0;
	s10 =	simm.s32 $0x1;
	v6 =	vmul.f32 v10, v2;
	v8 =	vmul.f32 v8, v2  }
.LBB2_5:
0x75: {  	p1 =	sne.s32 s10, $0x4F  }
0x76: {  	v4 =	vmul.f32 v4, v2;
	v3 =	vmul.f32 v3, v2;
	[tilespmem:s9+$0x30] =	vst v9;
	s11 =	sadd.s32 $0x80, s11;
	s12 =	smov.u32 s10;
	s10 =	sadd.s32 $0x1, s10  }
0x77: {  	[tilespmem:s9+$0xFFFFFFC0] =	vst v7;
	v7 =	vmul.f32 v1, v2;
	v2 =	vmul.f32 v5, v2  }
0x78: {  	[tilespmem:s9+$0x10] =	vst v8  }
0x79: {  	v5 =	vmov s12;
	[tilespmem:s9+$0xFFFFFFE0] =	vst v6  }
0x7a: {  	v1 =	vld [tilespmem:s11+$0xFFFFFFF0];
	[tilespmem:s9+$0xFFFFFFF0] =	vst v7  }
0x7b: {  	v6 =	vld [tilespmem:s11+$0x30];
	[tilespmem:s9+$0x0] =	vst v2  }
0x7c: {  	v8 =	vld [tilespmem:s11+$0x10];
	[tilespmem:s9+$0x20] =	vst v3  }
0x7d: {  	v7 =	vld [tilespmem:s11+$0xFFFFFFC0];
	[tilespmem:s9+$0xFFFFFFD0] =	vst v4;
	s9 =	smov.u32 s11  }
0x7e: {  	v2 =	vld.idx.msk [tilespmem:v5+s30+$0x0], $0xffff  }
0x7f: {  	v10 =	vld [tilespmem:s11+$0xFFFFFFE0]  }
0x80: {  	v3 =	vld [tilespmem:s11+$0x20]  }
.Ltmp1:
0x81: {  	v4 =	vld [tilespmem:s11+$0xFFFFFFD0];
	(pc) =	sbr.rel @p1 .LBB2_5-.Ltmp1, $3  }
0x82: {  	v5 =	vld [tilespmem:s11+$0x0];
	_ =	sdelay $0x1  }
0x83: {  	v7 =	vmul.f32 v7, v2;
	v9 =	vmul.f32 v6, v2  }
0x84: {  	v8 =	vmul.f32 v8, v2;
	v6 =	vmul.f32 v10, v2  }
0x85: {  	[tilespmem:s9+$0x30] =	vst v9  }
0x86: {  	[tilespmem:s9+$0xFFFFFFC0] =	vst v7  }
0x87: {  	v1 =	vmul.f32 v1, v2;
	[tilespmem:s9+$0x10] =	vst v8  }
0x88: {  	v3 =	vmul.f32 v3, v2;
	[tilespmem:s9+$0xFFFFFFE0] =	vst v6  }
0x89: {  	v5 =	vmul.f32 v5, v2;
	[tilespmem:s9+$0xFFFFFFF0] =	vst v1  }
0x8a: {  	s8 =	sadd.s32 $0x1, s8;
	v1 =	vmul.f32 v4, v2;
	[tilespmem:s9+$0x20] =	vst v3  }
0x8b: {  	p1 =	sne.s32 s8, $0x7D;
	[tilespmem:s9+$0x0] =	vst v5  }
.Ltmp2:
0x8c: {  	[tilespmem:s9+$0xFFFFFFD0] =	vst v1;
	(pc) =	sbr.rel @p1 .LBB2_4-.Ltmp2, $4  }
0x8d: {  	[spmem:s6] =	stream.indirect.scatter.add.f32 [tilespmem:s26], [sflag:$0x2], $0x80, s29, s31, $0xb8;
	[tilespmem:$0x16200] =	vst v63  }
0x8e: {  	_ =	swait.ge [sflag:s28], $0x2800  }
0x8f: {  	[sflag:s28] =	ssyncset.done $0x0  }
0x90: {  	[sflag:s28] =	ssyncadd.s32 $0xFFFFD800  }
0x91: {  	s1 =	stileid.u32  }
0x92: {  	[bflag:$0x0] =	sbarrier.arrive $0xFFFF;
	s1 =	sshll.u32 s1, $0x6  }
0x93: {  	s8 =	sshrl.u32 s16, $0x3;
	s9 =	rddreg [dreg:$0x6];
	s1 =	sor.u32 $0x1C02, s1  }
0x94: {  	[hbm:s9], [sflag:s1] =	dma.local [spmem:s8], $0x500  }
0x95: {  	_ =	swait.ge [sflag:s28], $0x500  }
0x96: {  	[sflag:s28] =	ssyncset.done $0x0  }
0x97: {  	s11 =	sshrl.u32 s17, $0x3;
	s12 =	rddreg [dreg:$0x7];
	[sflag:s28] =	ssyncadd.s32 $0xFFFFFB00  }
0x98: {  	[hbm:s12], [sflag:s1] =	dma.local [spmem:s11], $0x500  }
0x99: {  	_ =	swait.ge [sflag:s28], $0x500  }
0x9a: {  	[sflag:s28] =	ssyncset.done $0x0  }
0x9b: {  	s9 =	sshrl.u32 s18, $0x3;
	s10 =	rddreg [dreg:$0x8];
	[sflag:s28] =	ssyncadd.s32 $0xFFFFFB00  }
0x9c: {  	[hbm:s10], [sflag:s1] =	dma.local [spmem:s9], $0x500  }
0x9d: {  	_ =	swait.ge [sflag:s28], $0x500  }
0x9e: {  	[sflag:s28] =	ssyncset.done $0x0  }
0x9f: {  	s11 =	sshrl.u32 s19, $0x3;
	s12 =	rddreg [dreg:$0x9];
	[sflag:s28] =	ssyncadd.s32 $0xFFFFFB00  }
0xa0: {  	[hbm:s12], [sflag:s1] =	dma.local [spmem:s11], $0x500  }
0xa1: {  	_ =	swait.ge [sflag:s28], $0x500  }
0xa2: {  	[sflag:s28] =	ssyncset.done $0x0  }
0xa3: {  	s9 =	sshrl.u32 s20, $0x3;
	s10 =	rddreg [dreg:$0xa];
	[sflag:s28] =	ssyncadd.s32 $0xFFFFFB00  }
0xa4: {  	[hbm:s10], [sflag:s1] =	dma.local [spmem:s9], $0x500  }
0xa5: {  	_ =	swait.ge [sflag:s28], $0x500  }
0xa6: {  	[sflag:s28] =	ssyncset.done $0x0  }
0xa7: {  	s11 =	sshrl.u32 s21, $0x3;
	[sflag:s28] =	ssyncadd.s32 $0xFFFFFB00  }
0xa8: {  	[hbm:s13], [sflag:s1] =	dma.local [spmem:s11], $0x500  }
0xa9: {  	_ =	swait.ge [sflag:s28], $0x500  }
0xaa: {  	[sflag:s28] =	ssyncset.done $0x0  }
0xab: {  	s12 =	sshrl.u32 s22, $0x3;
	[sflag:s28] =	ssyncadd.s32 $0xFFFFFB00  }
0xac: {  	[hbm:s14], [sflag:s1] =	dma.local [spmem:s12], $0x500  }
0xad: {  	_ =	swait.ge [sflag:s28], $0x500  }
0xae: {  	s7 =	sadd.s32 $0x1, s7;
	[sflag:s28] =	ssyncset.done $0x0  }
0xaf: {  	p1 =	sne.s32 s7, s25;
	s8 =	sshrl.u32 @!p0 s23, $0x3;
	[sflag:s28] =	ssyncadd.s32 $0xFFFFFB00  }
0xb0: {  	[hbm:s15], [sflag:s1] =	dma.local @!p0 [spmem:s8], $0x500  }
.Ltmp3:
0xb1: {  	_ = 	snop;
	(pc) =	sbr.rel @p1 .LBB2_1-.Ltmp3, $4  }
0xb2: {  	s1 =	simm.s32 @!p0 $0x2  }
0xb3: {  	_ =	swait.ge @!p0 [sflag:s1], $0x500  }
0xb4: {  	[sflag:s1] =	ssyncset.done @!p0 $0x0  }
0xb5: {  	[sflag:s1] =	ssyncadd.s32 @!p0 $0xFFFFFB00  }
0xb6: {  	_ =	sfence.sel $0x180000  }
0xb7: {  	[bflag:$0x0] =	sbarrier.arrive $0xFFFF  }
0xb8: {  	_ =	strace $0x90000047  }
0xb9: {  	s0 =	stileid.u32;
	[bflag:$0x2] =	sbarrier.arrive $0xFFFF  }
0xba: {  	p0 =	sne.s32 s0, $0x0;
	s0 =	rddreg [dreg:$0x5]  }
0xbb: {  	s0 =	sadd.s32 @!p0 $0x100000, s0  }
0xbc: {  	[sflag:s0] =	ssyncadd.tile.s32 @!p0 $0x1;
	_ =	shalt  }
.Lfunc_end2:
_tile_overlayer_lowered:
.L_overlay_start_2:
0xbd: {  	(tag) =	ssettag $0x2  }
0xbe: {  	s0 =	rddreg [dreg:$0x0];
	s2 =	stileid.u32  }
0xbf: {  	s1 =	rddreg [dreg:$0x1];
	p0 =	sne.s32 s2, $0x0  }
0xc0: {  	s3 =	rddreg [dreg:$0x2];
	[bflag:$0x3] =	sbarrier.arrive $0xFFFF;
	s2 =	simm.s32 @!p0 $0x1C02  }
0xc1: {  	[timem:s3], [sflag:s2] =	dma.local @!p0 [hbm:s0], s1  }
0xc2: {  	s0 =	simm.s32 @!p0 $0x2  }
0xc3: {  	_ =	swait.ge @!p0 [sflag:s0], s1  }
0xc4: {  	s1 =	ssub.s32 @!p0 $0x0, s1;
	[sflag:s0] =	ssyncset.done @!p0 $0x0  }
0xc5: {  	[sflag:s0] =	ssyncadd.s32 @!p0 s1  }
0xc6: {  	[bflag:$0x3] =	sbarrier.arrive $0xFFFF  }
0xc7: {  	_ =	shalt  }

</sc_bundles>
